<compile_context>
chip_gen: v7x
topology: tpu7x:2x2x1
jax: 0.10.2.dev20260603
libtpu: 0.0.44.dev20260713+nightly
codegen_flags: <defaults>
</compile_context>

<pallas_src>
import functools

import jax
import jax.numpy as jnp
from jax import lax
from jax.experimental import pallas as pl
from jax.experimental.pallas import tpu as pltpu
from jax.experimental.pallas import tpu_sc as plsc

EMBED_DIM = 64
PAD_DIM = 128
ROWS, COLS = 16384, 200
NC, NS = 2, 16
NW = NC * NS
R_PER_W = ROWS // NW
NBUF = 4
LAG = NBUF - 2
HEAD = NBUF
TAIL = 4
N_GRP = (R_PER_W - HEAD - TAIL) // NBUF

_mesh = plsc.VectorSubcoreMesh(core_axis_name="c", subcore_axis_name="s")


@functools.partial(
    pl.kernel,
    out_type=jax.ShapeDtypeStruct((ROWS, COLS, PAD_DIM), jnp.float32),
    mesh=_mesh,
    scratch_types=(
        [pltpu.VMEM((COLS,), jnp.int32) for _ in range(NBUF)]
        + [pltpu.VMEM((COLS, PAD_DIM), jnp.float32) for _ in range(NBUF)]
        + [pltpu.SemaphoreType.DMA for _ in range(3 * NBUF)]
    ),
    compiler_params=pltpu.CompilerParams(use_tc_tiling_on_sc=True),
)
def _gather(tok_hbm, table_hbm, out_hbm, *scratch):
    idx = scratch[:NBUF]
    rows = scratch[NBUF:2 * NBUF]
    si = scratch[2 * NBUF:3 * NBUF]
    sg = scratch[3 * NBUF:4 * NBUF]
    sw = scratch[4 * NBUF:5 * NBUF]

    wid = lax.axis_index("s") * NC + lax.axis_index("c")
    base = wid * R_PER_W

    def issue_idx(b, i):
        pltpu.async_copy(tok_hbm.at[base + i], idx[b], si[b])

    def wait_idx(b):
        pltpu.make_async_copy(tok_hbm.at[0], idx[b], si[b]).wait()

    def fire_gather(b):
        pltpu.async_copy(table_hbm.at[idx[b]], rows[b], sg[b])

    def wait_gather(b):
        pltpu.make_async_copy(table_hbm.at[idx[b]], rows[b], sg[b]).wait()

    def issue_wb(b, i):
        pltpu.async_copy(rows[b], out_hbm.at[base + i], sw[b])

    def wait_wb(b):
        pltpu.make_async_copy(rows[b], out_hbm.at[0], sw[b]).wait()

    def do_step(i, b, bj, need_wb_wait, has_drain, do_prefetch):
        wait_idx(b)
        if need_wb_wait:
            wait_wb(b)
        fire_gather(b)
        if has_drain:
            j = i - LAG
            wait_gather(bj)
            issue_wb(bj, j)
            if do_prefetch:
                issue_idx(bj, j + NBUF)

    for b in range(NBUF):
        issue_idx(b, b)

    for i in range(HEAD):
        do_step(i, i % NBUF, (i - LAG) % NBUF, i >= NBUF, i >= LAG, True)

    def body(g, carry):
        for u in range(NBUF):
            i = HEAD + g * NBUF + u
            do_step(i, (HEAD + u) % NBUF, (HEAD + u - LAG) % NBUF,
                    True, True, True)
        return carry

    lax.fori_loop(0, N_GRP, body, 0)

    for i in range(R_PER_W - TAIL, R_PER_W):
        do_step(i, i % NBUF, (i - LAG) % NBUF, True, True,
                i - LAG + NBUF < R_PER_W)

    for j in range(R_PER_W - LAG, R_PER_W):
        wait_gather(j % NBUF)
        issue_wb(j % NBUF, j)
    for j in range(R_PER_W - NBUF, R_PER_W):
        wait_wb(j % NBUF)


def kernel(tokens, table):
    table_padded = jnp.pad(table, ((0, 0), (0, PAD_DIM - EMBED_DIM)))
    out = _gather(tokens.astype(jnp.int32), table_padded)
    return out[..., :EMBED_DIM]

# --- scband reference (transcript-rebuilt; emitter-appended) ---
"""Pipeline reference for scband-code-embedder-23871428232006 (READ-ONLY COPY).

The authoritative reference and input builder live on the scoring server;
editing this copy changes nothing except your own understanding.
"""

import jax, jax.numpy as jnp
import numpy as np

VOCAB = 1000000
EMBED_DIM = 64
PADDING_IDX = 0

def setup_inputs(seed: int = 0) -> dict:
    key = jax.random.key(seed)
    k_tok, k_tab = jax.random.split(key)
    tokens = jax.random.randint(k_tok, (16384, 200), 0, VOCAB, dtype=jnp.int64 if jax.config.jax_enable_x64 else jnp.int32)
    table = jax.random.normal(k_tab, (VOCAB, EMBED_DIM), dtype=jnp.float32)
    # nn.Embedding with padding_idx zeroes that row at init
    table = table.at[PADDING_IDX].set(0.0)
    return {"tokens": tokens, "table": table}

def reference(tokens, table):
    # Faithful translation of nn.Embedding lookup: out = table[tokens]
    return jnp.take(table, tokens, axis=0)

if __name__ == "__main__":
    import jax
    _d = setup_inputs()
    print(jax.jit(kernel)(*tuple(_d.values())))

</pallas_src>

<mosaic_0001>
#map = affine_map<(d0, d1) -> (0, 0)>
#map1 = affine_map<(d0, d1) -> (0, 0, 0)>
module attributes {stable_mosaic.version = 14 : i64} {
  func.func @_gather(%arg0: i32, %arg1: i32, %arg2: memref<16384x200xi32, #tpu.memory_space<hbm>>, %arg3: memref<1000000x128xf32, #tpu.memory_space<hbm>>, %arg4: memref<16384x200x128xf32, #tpu.memory_space<hbm>>, %arg5: memref<200xi32, #tpu.memory_space<vmem>>, %arg6: memref<200xi32, #tpu.memory_space<vmem>>, %arg7: memref<200xi32, #tpu.memory_space<vmem>>, %arg8: memref<200xi32, #tpu.memory_space<vmem>>, %arg9: memref<200x128xf32, #tpu.memory_space<vmem>>, %arg10: memref<200x128xf32, #tpu.memory_space<vmem>>, %arg11: memref<200x128xf32, #tpu.memory_space<vmem>>, %arg12: memref<200x128xf32, #tpu.memory_space<vmem>>, %arg13: memref<!tpu.dma_semaphore, #tpu.memory_space<semaphore_mem>>, %arg14: memref<!tpu.dma_semaphore, #tpu.memory_space<semaphore_mem>>, %arg15: memref<!tpu.dma_semaphore, #tpu.memory_space<semaphore_mem>>, %arg16: memref<!tpu.dma_semaphore, #tpu.memory_space<semaphore_mem>>, %arg17: memref<!tpu.dma_semaphore, #tpu.memory_space<semaphore_mem>>, %arg18: memref<!tpu.dma_semaphore, #tpu.memory_space<semaphore_mem>>, %arg19: memref<!tpu.dma_semaphore, #tpu.memory_space<semaphore_mem>>, %arg20: memref<!tpu.dma_semaphore, #tpu.memory_space<semaphore_mem>>, %arg21: memref<!tpu.dma_semaphore, #tpu.memory_space<semaphore_mem>>, %arg22: memref<!tpu.dma_semaphore, #tpu.memory_space<semaphore_mem>>, %arg23: memref<!tpu.dma_semaphore, #tpu.memory_space<semaphore_mem>>, %arg24: memref<!tpu.dma_semaphore, #tpu.memory_space<semaphore_mem>>) attributes {dimension_semantics = [#tpu.dimension_semantics<core_parallel>, #tpu.dimension_semantics<subcore_parallel>], iteration_bounds = array<i64: 2, 16>, scalar_prefetch = 0 : i64, scratch_operands = 20 : i64, tpu.core_type = #tpu.core_type<sc_vector_subcore>, window_params = [{transform_indices = #map}, {transform_indices = #map}, {transform_indices = #map1}]} {
    %mul3A = arith.constant 2 : i32
    %mul3A_0 = arith.muli %arg1, %mul3A : i32
    %add3A = arith.addi %mul3A_0, %arg0 : i32
    %mul3A_1 = arith.constant 512 : i32
    %mul3A_2 = arith.muli %add3A, %mul3A_1 : i32
    %add3A_3 = arith.constant 0 : i32
    %add3A_4 = arith.addi %mul3A_2, %add3A_3 : i32
    %dma_start3A = arith.constant 0 : i32
    %dma_start3A_5 = tpu.memref_slice %arg2[%add3A_4, %dma_start3A] : memref<16384x200xi32, #tpu.memory_space<hbm>> -> memref<1x200xi32, #tpu.memory_space<hbm>>
    %dma_start3A_6 = tpu.memref_squeeze %dma_start3A_5 : memref<1x200xi32, #tpu.memory_space<hbm>> -> memref<200xi32, #tpu.memory_space<hbm>>
    %dma_start3A_7 = arith.constant 0 : i32
    %dma_start3A_8 = tpu.memref_slice %arg2[%add3A_4, %dma_start3A_7] : memref<16384x200xi32, #tpu.memory_space<hbm>> -> memref<1x200xi32, #tpu.memory_space<hbm>>
    %dma_start3A_9 = tpu.memref_squeeze %dma_start3A_8 : memref<1x200xi32, #tpu.memory_space<hbm>> -> memref<200xi32, #tpu.memory_space<hbm>>
    tpu.enqueue_dma source(%dma_start3A_9 : memref<200xi32, #tpu.memory_space<hbm>>) target(%arg5 : memref<200xi32, #tpu.memory_space<vmem>>) target_semaphore(%arg13 : memref<!tpu.dma_semaphore, #tpu.memory_space<semaphore_mem>>)
    %add3A_10 = arith.constant 1 : i32
    %add3A_11 = arith.addi %mul3A_2, %add3A_10 : i32
    %dma_start3A_12 = arith.constant 0 : i32
    %dma_start3A_13 = tpu.memref_slice %arg2[%add3A_11, %dma_start3A_12] : memref<16384x200xi32, #tpu.memory_space<hbm>> -> memref<1x200xi32, #tpu.memory_space<hbm>>
    %dma_start3A_14 = tpu.memref_squeeze %dma_start3A_13 : memref<1x200xi32, #tpu.memory_space<hbm>> -> memref<200xi32, #tpu.memory_space<hbm>>
    %dma_start3A_15 = arith.constant 0 : i32
    %dma_start3A_16 = tpu.memref_slice %arg2[%add3A_11, %dma_start3A_15] : memref<16384x200xi32, #tpu.memory_space<hbm>> -> memref<1x200xi32, #tpu.memory_space<hbm>>
    %dma_start3A_17 = tpu.memref_squeeze %dma_start3A_16 : memref<1x200xi32, #tpu.memory_space<hbm>> -> memref<200xi32, #tpu.memory_space<hbm>>
    tpu.enqueue_dma source(%dma_start3A_17 : memref<200xi32, #tpu.memory_space<hbm>>) target(%arg6 : memref<200xi32, #tpu.memory_space<vmem>>) target_semaphore(%arg14 : memref<!tpu.dma_semaphore, #tpu.memory_space<semaphore_mem>>)
    %add3A_18 = arith.constant 2 : i32
    %add3A_19 = arith.addi %mul3A_2, %add3A_18 : i32
    %dma_start3A_20 = arith.constant 0 : i32
    %dma_start3A_21 = tpu.memref_slice %arg2[%add3A_19, %dma_start3A_20] : memref<16384x200xi32, #tpu.memory_space<hbm>> -> memref<1x200xi32, #tpu.memory_space<hbm>>
    %dma_start3A_22 = tpu.memref_squeeze %dma_start3A_21 : memref<1x200xi32, #tpu.memory_space<hbm>> -> memref<200xi32, #tpu.memory_space<hbm>>
    %dma_start3A_23 = arith.constant 0 : i32
    %dma_start3A_24 = tpu.memref_slice %arg2[%add3A_19, %dma_start3A_23] : memref<16384x200xi32, #tpu.memory_space<hbm>> -> memref<1x200xi32, #tpu.memory_space<hbm>>
    %dma_start3A_25 = tpu.memref_squeeze %dma_start3A_24 : memref<1x200xi32, #tpu.memory_space<hbm>> -> memref<200xi32, #tpu.memory_space<hbm>>
    tpu.enqueue_dma source(%dma_start3A_25 : memref<200xi32, #tpu.memory_space<hbm>>) target(%arg7 : memref<200xi32, #tpu.memory_space<vmem>>) target_semaphore(%arg15 : memref<!tpu.dma_semaphore, #tpu.memory_space<semaphore_mem>>)
    %add3A_26 = arith.constant 3 : i32
    %add3A_27 = arith.addi %mul3A_2, %add3A_26 : i32
    %dma_start3A_28 = arith.constant 0 : i32
    %dma_start3A_29 = tpu.memref_slice %arg2[%add3A_27, %dma_start3A_28] : memref<16384x200xi32, #tpu.memory_space<hbm>> -> memref<1x200xi32, #tpu.memory_space<hbm>>
    %dma_start3A_30 = tpu.memref_squeeze %dma_start3A_29 : memref<1x200xi32, #tpu.memory_space<hbm>> -> memref<200xi32, #tpu.memory_space<hbm>>
    %dma_start3A_31 = arith.constant 0 : i32
    %dma_start3A_32 = tpu.memref_slice %arg2[%add3A_27, %dma_start3A_31] : memref<16384x200xi32, #tpu.memory_space<hbm>> -> memref<1x200xi32, #tpu.memory_space<hbm>>
    %dma_start3A_33 = tpu.memref_squeeze %dma_start3A_32 : memref<1x200xi32, #tpu.memory_space<hbm>> -> memref<200xi32, #tpu.memory_space<hbm>>
    tpu.enqueue_dma source(%dma_start3A_33 : memref<200xi32, #tpu.memory_space<hbm>>) target(%arg8 : memref<200xi32, #tpu.memory_space<vmem>>) target_semaphore(%arg16 : memref<!tpu.dma_semaphore, #tpu.memory_space<semaphore_mem>>)
    %dma_wait3A = arith.constant 0 : i32
    %dma_wait3A_34 = arith.constant 0 : i32
    %dma_wait3A_35 = tpu.memref_slice %arg2[%dma_wait3A, %dma_wait3A_34] : memref<16384x200xi32, #tpu.memory_space<hbm>> -> memref<1x200xi32, #tpu.memory_space<hbm>>
    %dma_wait3A_36 = tpu.memref_squeeze %dma_wait3A_35 : memref<1x200xi32, #tpu.memory_space<hbm>> -> memref<200xi32, #tpu.memory_space<hbm>>
    %dma_wait3A_37 = arith.constant 0 : i32
    %dma_wait3A_38 = tpu.memref_slice %arg2[%dma_wait3A, %dma_wait3A_37] : memref<16384x200xi32, #tpu.memory_space<hbm>> -> memref<1x200xi32, #tpu.memory_space<hbm>>
    %dma_wait3A_39 = tpu.memref_squeeze %dma_wait3A_38 : memref<1x200xi32, #tpu.memory_space<hbm>> -> memref<200xi32, #tpu.memory_space<hbm>>
    tpu.wait_dma2 semaphore(%arg13 : memref<!tpu.dma_semaphore, #tpu.memory_space<semaphore_mem>>) src(%dma_wait3A_39 : memref<200xi32, #tpu.memory_space<hbm>>) dst(%arg5 : memref<200xi32, #tpu.memory_space<vmem>>)
    %dma_start3A_40 = arith.constant 0 : i32
    %dma_start3A_41 = arith.constant 0 : i32
    %dma_start3A_42 = tpu.memref_slice %arg3[%dma_start3A_40, %dma_start3A_41] : memref<1000000x128xf32, #tpu.memory_space<hbm>> -> memref<1000000x128xf32, #tpu.memory_space<hbm>>
    tpu.enqueue_indirect_dma source(%dma_start3A_42 : memref<1000000x128xf32, #tpu.memory_space<hbm>>) target(%arg9 : memref<200x128xf32, #tpu.memory_space<vmem>>) offsets(%arg5 : memref<200xi32, #tpu.memory_space<vmem>>) semaphore(%arg17 : memref<!tpu.dma_semaphore, #tpu.memory_space<semaphore_mem>>)
    %dma_wait3A_43 = arith.constant 0 : i32
    %dma_wait3A_44 = arith.constant 0 : i32
    %dma_wait3A_45 = tpu.memref_slice %arg2[%dma_wait3A_43, %dma_wait3A_44] : memref<16384x200xi32, #tpu.memory_space<hbm>> -> memref<1x200xi32, #tpu.memory_space<hbm>>
    %dma_wait3A_46 = tpu.memref_squeeze %dma_wait3A_45 : memref<1x200xi32, #tpu.memory_space<hbm>> -> memref<200xi32, #tpu.memory_space<hbm>>
    %dma_wait3A_47 = arith.constant 0 : i32
    %dma_wait3A_48 = tpu.memref_slice %arg2[%dma_wait3A_43, %dma_wait3A_47] : memref<16384x200xi32, #tpu.memory_space<hbm>> -> memref<1x200xi32, #tpu.memory_space<hbm>>
    %dma_wait3A_49 = tpu.memref_squeeze %dma_wait3A_48 : memref<1x200xi32, #tpu.memory_space<hbm>> -> memref<200xi32, #tpu.memory_space<hbm>>
    tpu.wait_dma2 semaphore(%arg14 : memref<!tpu.dma_semaphore, #tpu.memory_space<semaphore_mem>>) src(%dma_wait3A_49 : memref<200xi32, #tpu.memory_space<hbm>>) dst(%arg6 : memref<200xi32, #tpu.memory_space<vmem>>)
    %dma_start3A_50 = arith.constant 0 : i32
    %dma_start3A_51 = arith.constant 0 : i32
    %dma_start3A_52 = tpu.memref_slice %arg3[%dma_start3A_50, %dma_start3A_51] : memref<1000000x128xf32, #tpu.memory_space<hbm>> -> memref<1000000x128xf32, #tpu.memory_space<hbm>>
    tpu.enqueue_indirect_dma source(%dma_start3A_52 : memref<1000000x128xf32, #tpu.memory_space<hbm>>) target(%arg10 : memref<200x128xf32, #tpu.memory_space<vmem>>) offsets(%arg6 : memref<200xi32, #tpu.memory_space<vmem>>) semaphore(%arg18 : memref<!tpu.dma_semaphore, #tpu.memory_space<semaphore_mem>>)
    %dma_wait3A_53 = arith.constant 0 : i32
    %dma_wait3A_54 = arith.constant 0 : i32
    %dma_wait3A_55 = tpu.memref_slice %arg2[%dma_wait3A_53, %dma_wait3A_54] : memref<16384x200xi32, #tpu.memory_space<hbm>> -> memref<1x200xi32, #tpu.memory_space<hbm>>
    %dma_wait3A_56 = tpu.memref_squeeze %dma_wait3A_55 : memref<1x200xi32, #tpu.memory_space<hbm>> -> memref<200xi32, #tpu.memory_space<hbm>>
    %dma_wait3A_57 = arith.constant 0 : i32
    %dma_wait3A_58 = tpu.memref_slice %arg2[%dma_wait3A_53, %dma_wait3A_57] : memref<16384x200xi32, #tpu.memory_space<hbm>> -> memref<1x200xi32, #tpu.memory_space<hbm>>
    %dma_wait3A_59 = tpu.memref_squeeze %dma_wait3A_58 : memref<1x200xi32, #tpu.memory_space<hbm>> -> memref<200xi32, #tpu.memory_space<hbm>>
    tpu.wait_dma2 semaphore(%arg15 : memref<!tpu.dma_semaphore, #tpu.memory_space<semaphore_mem>>) src(%dma_wait3A_59 : memref<200xi32, #tpu.memory_space<hbm>>) dst(%arg7 : memref<200xi32, #tpu.memory_space<vmem>>)
    %dma_start3A_60 = arith.constant 0 : i32
    %dma_start3A_61 = arith.constant 0 : i32
    %dma_start3A_62 = tpu.memref_slice %arg3[%dma_start3A_60, %dma_start3A_61] : memref<1000000x128xf32, #tpu.memory_space<hbm>> -> memref<1000000x128xf32, #tpu.memory_space<hbm>>
    tpu.enqueue_indirect_dma source(%dma_start3A_62 : memref<1000000x128xf32, #tpu.memory_space<hbm>>) target(%arg11 : memref<200x128xf32, #tpu.memory_space<vmem>>) offsets(%arg7 : memref<200xi32, #tpu.memory_space<vmem>>) semaphore(%arg19 : memref<!tpu.dma_semaphore, #tpu.memory_space<semaphore_mem>>)
    %dma_wait3A_63 = arith.constant 0 : i32
    %dma_wait3A_64 = arith.constant 0 : i32
    %dma_wait3A_65 = tpu.memref_slice %arg3[%dma_wait3A_63, %dma_wait3A_64] : memref<1000000x128xf32, #tpu.memory_space<hbm>> -> memref<1000000x128xf32, #tpu.memory_space<hbm>>
    tpu.wait_indirect_dma semaphore(%arg17 : memref<!tpu.dma_semaphore, #tpu.memory_space<semaphore_mem>>) src(%dma_wait3A_65 : memref<1000000x128xf32, #tpu.memory_space<hbm>>) dst(%arg9 : memref<200x128xf32, #tpu.memory_space<vmem>>)
    %add3A_66 = arith.constant 0 : i32
    %add3A_67 = arith.addi %mul3A_2, %add3A_66 : i32
    %dma_start3A_68 = arith.constant 0 : i32
    %dma_start3A_69 = arith.constant 0 : i32
    %dma_start3A_70 = tpu.memref_slice %arg4[%add3A_67, %dma_start3A_68, %dma_start3A_69] : memref<16384x200x128xf32, #tpu.memory_space<hbm>> -> memref<1x200x128xf32, #tpu.memory_space<hbm>>
    %dma_start3A_71 = tpu.memref_squeeze %dma_start3A_70 : memref<1x200x128xf32, #tpu.memory_space<hbm>> -> memref<200x128xf32, #tpu.memory_space<hbm>>
    %dma_start3A_72 = arith.constant 0 : i32
    %dma_start3A_73 = arith.constant 0 : i32
    %dma_start3A_74 = tpu.memref_slice %arg4[%add3A_67, %dma_start3A_72, %dma_start3A_73] : memref<16384x200x128xf32, #tpu.memory_space<hbm>> -> memref<1x200x128xf32, #tpu.memory_space<hbm>>
    %dma_start3A_75 = tpu.memref_squeeze %dma_start3A_74 : memref<1x200x128xf32, #tpu.memory_space<hbm>> -> memref<200x128xf32, #tpu.memory_space<hbm>>
    tpu.enqueue_dma source(%arg9 : memref<200x128xf32, #tpu.memory_space<vmem>>) target(%dma_start3A_75 : memref<200x128xf32, #tpu.memory_space<hbm>>) target_semaphore(%arg21 : memref<!tpu.dma_semaphore, #tpu.memory_space<semaphore_mem>>)
    %add3A_76 = arith.constant 4 : i32
    %add3A_77 = arith.addi %mul3A_2, %add3A_76 : i32
    %dma_start3A_78 = arith.constant 0 : i32
    %dma_start3A_79 = tpu.memref_slice %arg2[%add3A_77, %dma_start3A_78] : memref<16384x200xi32, #tpu.memory_space<hbm>> -> memref<1x200xi32, #tpu.memory_space<hbm>>
    %dma_start3A_80 = tpu.memref_squeeze %dma_start3A_79 : memref<1x200xi32, #tpu.memory_space<hbm>> -> memref<200xi32, #tpu.memory_space<hbm>>
    %dma_start3A_81 = arith.constant 0 : i32
    %dma_start3A_82 = tpu.memref_slice %arg2[%add3A_77, %dma_start3A_81] : memref<16384x200xi32, #tpu.memory_space<hbm>> -> memref<1x200xi32, #tpu.memory_space<hbm>>
    %dma_start3A_83 = tpu.memref_squeeze %dma_start3A_82 : memref<1x200xi32, #tpu.memory_space<hbm>> -> memref<200xi32, #tpu.memory_space<hbm>>
    tpu.enqueue_dma source(%dma_start3A_83 : memref<200xi32, #tpu.memory_space<hbm>>) target(%arg5 : memref<200xi32, #tpu.memory_space<vmem>>) target_semaphore(%arg13 : memref<!tpu.dma_semaphore, #tpu.memory_space<semaphore_mem>>)
    %dma_wait3A_84 = arith.constant 0 : i32
    %dma_wait3A_85 = arith.constant 0 : i32
    %dma_wait3A_86 = tpu.memref_slice %arg2[%dma_wait3A_84, %dma_wait3A_85] : memref<16384x200xi32, #tpu.memory_space<hbm>> -> memref<1x200xi32, #tpu.memory_space<hbm>>
    %dma_wait3A_87 = tpu.memref_squeeze %dma_wait3A_86 : memref<1x200xi32, #tpu.memory_space<hbm>> -> memref<200xi32, #tpu.memory_space<hbm>>
    %dma_wait3A_88 = arith.constant 0 : i32
    %dma_wait3A_89 = tpu.memref_slice %arg2[%dma_wait3A_84, %dma_wait3A_88] : memref<16384x200xi32, #tpu.memory_space<hbm>> -> memref<1x200xi32, #tpu.memory_space<hbm>>
    %dma_wait3A_90 = tpu.memref_squeeze %dma_wait3A_89 : memref<1x200xi32, #tpu.memory_space<hbm>> -> memref<200xi32, #tpu.memory_space<hbm>>
    tpu.wait_dma2 semaphore(%arg16 : memref<!tpu.dma_semaphore, #tpu.memory_space<semaphore_mem>>) src(%dma_wait3A_90 : memref<200xi32, #tpu.memory_space<hbm>>) dst(%arg8 : memref<200xi32, #tpu.memory_space<vmem>>)
    %dma_start3A_91 = arith.constant 0 : i32
    %dma_start3A_92 = arith.constant 0 : i32
    %dma_start3A_93 = tpu.memref_slice %arg3[%dma_start3A_91, %dma_start3A_92] : memref<1000000x128xf32, #tpu.memory_space<hbm>> -> memref<1000000x128xf32, #tpu.memory_space<hbm>>
    tpu.enqueue_indirect_dma source(%dma_start3A_93 : memref<1000000x128xf32, #tpu.memory_space<hbm>>) target(%arg12 : memref<200x128xf32, #tpu.memory_space<vmem>>) offsets(%arg8 : memref<200xi32, #tpu.memory_space<vmem>>) semaphore(%arg20 : memref<!tpu.dma_semaphore, #tpu.memory_space<semaphore_mem>>)
    %dma_wait3A_94 = arith.constant 0 : i32
    %dma_wait3A_95 = arith.constant 0 : i32
    %dma_wait3A_96 = tpu.memref_slice %arg3[%dma_wait3A_94, %dma_wait3A_95] : memref<1000000x128xf32, #tpu.memory_space<hbm>> -> memref<1000000x128xf32, #tpu.memory_space<hbm>>
    tpu.wait_indirect_dma semaphore(%arg18 : memref<!tpu.dma_semaphore, #tpu.memory_space<semaphore_mem>>) src(%dma_wait3A_96 : memref<1000000x128xf32, #tpu.memory_space<hbm>>) dst(%arg10 : memref<200x128xf32, #tpu.memory_space<vmem>>)
    %add3A_97 = arith.constant 1 : i32
    %add3A_98 = arith.addi %mul3A_2, %add3A_97 : i32
    %dma_start3A_99 = arith.constant 0 : i32
    %dma_start3A_100 = arith.constant 0 : i32
    %dma_start3A_101 = tpu.memref_slice %arg4[%add3A_98, %dma_start3A_99, %dma_start3A_100] : memref<16384x200x128xf32, #tpu.memory_space<hbm>> -> memref<1x200x128xf32, #tpu.memory_space<hbm>>
    %dma_start3A_102 = tpu.memref_squeeze %dma_start3A_101 : memref<1x200x128xf32, #tpu.memory_space<hbm>> -> memref<200x128xf32, #tpu.memory_space<hbm>>
    %dma_start3A_103 = arith.constant 0 : i32
    %dma_start3A_104 = arith.constant 0 : i32
    %dma_start3A_105 = tpu.memref_slice %arg4[%add3A_98, %dma_start3A_103, %dma_start3A_104] : memref<16384x200x128xf32, #tpu.memory_space<hbm>> -> memref<1x200x128xf32, #tpu.memory_space<hbm>>
    %dma_start3A_106 = tpu.memref_squeeze %dma_start3A_105 : memref<1x200x128xf32, #tpu.memory_space<hbm>> -> memref<200x128xf32, #tpu.memory_space<hbm>>
    tpu.enqueue_dma source(%arg10 : memref<200x128xf32, #tpu.memory_space<vmem>>) target(%dma_start3A_106 : memref<200x128xf32, #tpu.memory_space<hbm>>) target_semaphore(%arg22 : memref<!tpu.dma_semaphore, #tpu.memory_space<semaphore_mem>>)
    %add3A_107 = arith.constant 5 : i32
    %add3A_108 = arith.addi %mul3A_2, %add3A_107 : i32
    %dma_start3A_109 = arith.constant 0 : i32
    %dma_start3A_110 = tpu.memref_slice %arg2[%add3A_108, %dma_start3A_109] : memref<16384x200xi32, #tpu.memory_space<hbm>> -> memref<1x200xi32, #tpu.memory_space<hbm>>
    %dma_start3A_111 = tpu.memref_squeeze %dma_start3A_110 : memref<1x200xi32, #tpu.memory_space<hbm>> -> memref<200xi32, #tpu.memory_space<hbm>>
    %dma_start3A_112 = arith.constant 0 : i32
    %dma_start3A_113 = tpu.memref_slice %arg2[%add3A_108, %dma_start3A_112] : memref<16384x200xi32, #tpu.memory_space<hbm>> -> memref<1x200xi32, #tpu.memory_space<hbm>>
    %dma_start3A_114 = tpu.memref_squeeze %dma_start3A_113 : memref<1x200xi32, #tpu.memory_space<hbm>> -> memref<200xi32, #tpu.memory_space<hbm>>
    tpu.enqueue_dma source(%dma_start3A_114 : memref<200xi32, #tpu.memory_space<hbm>>) target(%arg6 : memref<200xi32, #tpu.memory_space<vmem>>) target_semaphore(%arg14 : memref<!tpu.dma_semaphore, #tpu.memory_space<semaphore_mem>>)
    %scan3A = arith.constant 0 : i32
    %scan3A_115 = arith.constant 0 : i32
    %scan3A_116 = arith.constant 126 : i32
    %scan3A_117 = arith.addi %scan3A_115, %scan3A_116 : i32
    %scan3A_118 = arith.constant 1 : i32
    scf.for %scan3A_326 = %scan3A_115 to %scan3A_117 step %scan3A_118  : i32 {
      %mul3A_327 = arith.constant 4 : i32
      %mul3A_328 = arith.muli %scan3A_326, %mul3A_327 : i32
      %add3A_329 = arith.constant 4 : i32
      %add3A_330 = arith.addi %add3A_329, %mul3A_328 : i32
      %add3A_331 = arith.constant 0 : i32
      %add3A_332 = arith.addi %add3A_330, %add3A_331 : i32
      %dma_wait3A_333 = arith.constant 0 : i32
      %dma_wait3A_334 = arith.constant 0 : i32
      %dma_wait3A_335 = tpu.memref_slice %arg2[%dma_wait3A_333, %dma_wait3A_334] : memref<16384x200xi32, #tpu.memory_space<hbm>> -> memref<1x200xi32, #tpu.memory_space<hbm>>
      %dma_wait3A_336 = tpu.memref_squeeze %dma_wait3A_335 : memref<1x200xi32, #tpu.memory_space<hbm>> -> memref<200xi32, #tpu.memory_space<hbm>>
      %dma_wait3A_337 = arith.constant 0 : i32
      %dma_wait3A_338 = tpu.memref_slice %arg2[%dma_wait3A_333, %dma_wait3A_337] : memref<16384x200xi32, #tpu.memory_space<hbm>> -> memref<1x200xi32, #tpu.memory_space<hbm>>
      %dma_wait3A_339 = tpu.memref_squeeze %dma_wait3A_338 : memref<1x200xi32, #tpu.memory_space<hbm>> -> memref<200xi32, #tpu.memory_space<hbm>>
      tpu.wait_dma2 semaphore(%arg13 : memref<!tpu.dma_semaphore, #tpu.memory_space<semaphore_mem>>) src(%dma_wait3A_339 : memref<200xi32, #tpu.memory_space<hbm>>) dst(%arg5 : memref<200xi32, #tpu.memory_space<vmem>>)
      %dma_wait3A_340 = arith.constant 0 : i32
      %dma_wait3A_341 = arith.constant 0 : i32
      %dma_wait3A_342 = arith.constant 0 : i32
      %dma_wait3A_343 = tpu.memref_slice %arg4[%dma_wait3A_340, %dma_wait3A_341, %dma_wait3A_342] : memref<16384x200x128xf32, #tpu.memory_space<hbm>> -> memref<1x200x128xf32, #tpu.memory_space<hbm>>
      %dma_wait3A_344 = tpu.memref_squeeze %dma_wait3A_343 : memref<1x200x128xf32, #tpu.memory_space<hbm>> -> memref<200x128xf32, #tpu.memory_space<hbm>>
      %dma_wait3A_345 = arith.constant 0 : i32
      %dma_wait3A_346 = arith.constant 0 : i32
      %dma_wait3A_347 = tpu.memref_slice %arg4[%dma_wait3A_340, %dma_wait3A_345, %dma_wait3A_346] : memref<16384x200x128xf32, #tpu.memory_space<hbm>> -> memref<1x200x128xf32, #tpu.memory_space<hbm>>
      %dma_wait3A_348 = tpu.memref_squeeze %dma_wait3A_347 : memref<1x200x128xf32, #tpu.memory_space<hbm>> -> memref<200x128xf32, #tpu.memory_space<hbm>>
      tpu.wait_dma2 semaphore(%arg21 : memref<!tpu.dma_semaphore, #tpu.memory_space<semaphore_mem>>) src(%arg9 : memref<200x128xf32, #tpu.memory_space<vmem>>) dst(%dma_wait3A_348 : memref<200x128xf32, #tpu.memory_space<hbm>>)
      %dma_start3A_349 = arith.constant 0 : i32
      %dma_start3A_350 = arith.constant 0 : i32
      %dma_start3A_351 = tpu.memref_slice %arg3[%dma_start3A_349, %dma_start3A_350] : memref<1000000x128xf32, #tpu.memory_space<hbm>> -> memref<1000000x128xf32, #tpu.memory_space<hbm>>
      tpu.enqueue_indirect_dma source(%dma_start3A_351 : memref<1000000x128xf32, #tpu.memory_space<hbm>>) target(%arg9 : memref<200x128xf32, #tpu.memory_space<vmem>>) offsets(%arg5 : memref<200xi32, #tpu.memory_space<vmem>>) semaphore(%arg17 : memref<!tpu.dma_semaphore, #tpu.memory_space<semaphore_mem>>)
      %sub3A = arith.constant 2 : i32
      %sub3A_352 = arith.subi %add3A_332, %sub3A : i32
      %dma_wait3A_353 = arith.constant 0 : i32
      %dma_wait3A_354 = arith.constant 0 : i32
      %dma_wait3A_355 = tpu.memref_slice %arg3[%dma_wait3A_353, %dma_wait3A_354] : memref<1000000x128xf32, #tpu.memory_space<hbm>> -> memref<1000000x128xf32, #tpu.memory_space<hbm>>
      tpu.wait_indirect_dma semaphore(%arg19 : memref<!tpu.dma_semaphore, #tpu.memory_space<semaphore_mem>>) src(%dma_wait3A_355 : memref<1000000x128xf32, #tpu.memory_space<hbm>>) dst(%arg11 : memref<200x128xf32, #tpu.memory_space<vmem>>)
      %add3A_356 = arith.addi %mul3A_2, %sub3A_352 : i32
      %dma_start3A_357 = arith.constant 0 : i32
      %dma_start3A_358 = arith.constant 0 : i32
      %dma_start3A_359 = tpu.memref_slice %arg4[%add3A_356, %dma_start3A_357, %dma_start3A_358] : memref<16384x200x128xf32, #tpu.memory_space<hbm>> -> memref<1x200x128xf32, #tpu.memory_space<hbm>>
      %dma_start3A_360 = tpu.memref_squeeze %dma_start3A_359 : memref<1x200x128xf32, #tpu.memory_space<hbm>> -> memref<200x128xf32, #tpu.memory_space<hbm>>
      %dma_start3A_361 = arith.constant 0 : i32
      %dma_start3A_362 = arith.constant 0 : i32
      %dma_start3A_363 = tpu.memref_slice %arg4[%add3A_356, %dma_start3A_361, %dma_start3A_362] : memref<16384x200x128xf32, #tpu.memory_space<hbm>> -> memref<1x200x128xf32, #tpu.memory_space<hbm>>
      %dma_start3A_364 = tpu.memref_squeeze %dma_start3A_363 : memref<1x200x128xf32, #tpu.memory_space<hbm>> -> memref<200x128xf32, #tpu.memory_space<hbm>>
      tpu.enqueue_dma source(%arg11 : memref<200x128xf32, #tpu.memory_space<vmem>>) target(%dma_start3A_364 : memref<200x128xf32, #tpu.memory_space<hbm>>) target_semaphore(%arg23 : memref<!tpu.dma_semaphore, #tpu.memory_space<semaphore_mem>>)
      %add3A_365 = arith.constant 4 : i32
      %add3A_366 = arith.addi %sub3A_352, %add3A_365 : i32
      %add3A_367 = arith.addi %mul3A_2, %add3A_366 : i32
      %dma_start3A_368 = arith.constant 0 : i32
      %dma_start3A_369 = tpu.memref_slice %arg2[%add3A_367, %dma_start3A_368] : memref<16384x200xi32, #tpu.memory_space<hbm>> -> memref<1x200xi32, #tpu.memory_space<hbm>>
      %dma_start3A_370 = tpu.memref_squeeze %dma_start3A_369 : memref<1x200xi32, #tpu.memory_space<hbm>> -> memref<200xi32, #tpu.memory_space<hbm>>
      %dma_start3A_371 = arith.constant 0 : i32
      %dma_start3A_372 = tpu.memref_slice %arg2[%add3A_367, %dma_start3A_371] : memref<16384x200xi32, #tpu.memory_space<hbm>> -> memref<1x200xi32, #tpu.memory_space<hbm>>
      %dma_start3A_373 = tpu.memref_squeeze %dma_start3A_372 : memref<1x200xi32, #tpu.memory_space<hbm>> -> memref<200xi32, #tpu.memory_space<hbm>>
      tpu.enqueue_dma source(%dma_start3A_373 : memref<200xi32, #tpu.memory_space<hbm>>) target(%arg7 : memref<200xi32, #tpu.memory_space<vmem>>) target_semaphore(%arg15 : memref<!tpu.dma_semaphore, #tpu.memory_space<semaphore_mem>>)
      %mul3A_374 = arith.constant 4 : i32
      %mul3A_375 = arith.muli %scan3A_326, %mul3A_374 : i32
      %add3A_376 = arith.constant 4 : i32
      %add3A_377 = arith.addi %add3A_376, %mul3A_375 : i32
      %add3A_378 = arith.constant 1 : i32
      %add3A_379 = arith.addi %add3A_377, %add3A_378 : i32
      %dma_wait3A_380 = arith.constant 0 : i32
      %dma_wait3A_381 = arith.constant 0 : i32
      %dma_wait3A_382 = tpu.memref_slice %arg2[%dma_wait3A_380, %dma_wait3A_381] : memref<16384x200xi32, #tpu.memory_space<hbm>> -> memref<1x200xi32, #tpu.memory_space<hbm>>
      %dma_wait3A_383 = tpu.memref_squeeze %dma_wait3A_382 : memref<1x200xi32, #tpu.memory_space<hbm>> -> memref<200xi32, #tpu.memory_space<hbm>>
      %dma_wait3A_384 = arith.constant 0 : i32
      %dma_wait3A_385 = tpu.memref_slice %arg2[%dma_wait3A_380, %dma_wait3A_384] : memref<16384x200xi32, #tpu.memory_space<hbm>> -> memref<1x200xi32, #tpu.memory_space<hbm>>
      %dma_wait3A_386 = tpu.memref_squeeze %dma_wait3A_385 : memref<1x200xi32, #tpu.memory_space<hbm>> -> memref<200xi32, #tpu.memory_space<hbm>>
      tpu.wait_dma2 semaphore(%arg14 : memref<!tpu.dma_semaphore, #tpu.memory_space<semaphore_mem>>) src(%dma_wait3A_386 : memref<200xi32, #tpu.memory_space<hbm>>) dst(%arg6 : memref<200xi32, #tpu.memory_space<vmem>>)
      %dma_wait3A_387 = arith.constant 0 : i32
      %dma_wait3A_388 = arith.constant 0 : i32
      %dma_wait3A_389 = arith.constant 0 : i32
      %dma_wait3A_390 = tpu.memref_slice %arg4[%dma_wait3A_387, %dma_wait3A_388, %dma_wait3A_389] : memref<16384x200x128xf32, #tpu.memory_space<hbm>> -> memref<1x200x128xf32, #tpu.memory_space<hbm>>
      %dma_wait3A_391 = tpu.memref_squeeze %dma_wait3A_390 : memref<1x200x128xf32, #tpu.memory_space<hbm>> -> memref<200x128xf32, #tpu.memory_space<hbm>>
      %dma_wait3A_392 = arith.constant 0 : i32
      %dma_wait3A_393 = arith.constant 0 : i32
      %dma_wait3A_394 = tpu.memref_slice %arg4[%dma_wait3A_387, %dma_wait3A_392, %dma_wait3A_393] : memref<16384x200x128xf32, #tpu.memory_space<hbm>> -> memref<1x200x128xf32, #tpu.memory_space<hbm>>
      %dma_wait3A_395 = tpu.memref_squeeze %dma_wait3A_394 : memref<1x200x128xf32, #tpu.memory_space<hbm>> -> memref<200x128xf32, #tpu.memory_space<hbm>>
      tpu.wait_dma2 semaphore(%arg22 : memref<!tpu.dma_semaphore, #tpu.memory_space<semaphore_mem>>) src(%arg10 : memref<200x128xf32, #tpu.memory_space<vmem>>) dst(%dma_wait3A_395 : memref<200x128xf32, #tpu.memory_space<hbm>>)
      %dma_start3A_396 = arith.constant 0 : i32
      %dma_start3A_397 = arith.constant 0 : i32
      %dma_start3A_398 = tpu.memref_slice %arg3[%dma_start3A_396, %dma_start3A_397] : memref<1000000x128xf32, #tpu.memory_space<hbm>> -> memref<1000000x128xf32, #tpu.memory_space<hbm>>
      tpu.enqueue_indirect_dma source(%dma_start3A_398 : memref<1000000x128xf32, #tpu.memory_space<hbm>>) target(%arg10 : memref<200x128xf32, #tpu.memory_space<vmem>>) offsets(%arg6 : memref<200xi32, #tpu.memory_space<vmem>>) semaphore(%arg18 : memref<!tpu.dma_semaphore, #tpu.memory_space<semaphore_mem>>)
      %sub3A_399 = arith.constant 2 : i32
      %sub3A_400 = arith.subi %add3A_379, %sub3A_399 : i32
      %dma_wait3A_401 = arith.constant 0 : i32
      %dma_wait3A_402 = arith.constant 0 : i32
      %dma_wait3A_403 = tpu.memref_slice %arg3[%dma_wait3A_401, %dma_wait3A_402] : memref<1000000x128xf32, #tpu.memory_space<hbm>> -> memref<1000000x128xf32, #tpu.memory_space<hbm>>
      tpu.wait_indirect_dma semaphore(%arg20 : memref<!tpu.dma_semaphore, #tpu.memory_space<semaphore_mem>>) src(%dma_wait3A_403 : memref<1000000x128xf32, #tpu.memory_space<hbm>>) dst(%arg12 : memref<200x128xf32, #tpu.memory_space<vmem>>)
      %add3A_404 = arith.addi %mul3A_2, %sub3A_400 : i32
      %dma_start3A_405 = arith.constant 0 : i32
      %dma_start3A_406 = arith.constant 0 : i32
      %dma_start3A_407 = tpu.memref_slice %arg4[%add3A_404, %dma_start3A_405, %dma_start3A_406] : memref<16384x200x128xf32, #tpu.memory_space<hbm>> -> memref<1x200x128xf32, #tpu.memory_space<hbm>>
      %dma_start3A_408 = tpu.memref_squeeze %dma_start3A_407 : memref<1x200x128xf32, #tpu.memory_space<hbm>> -> memref<200x128xf32, #tpu.memory_space<hbm>>
      %dma_start3A_409 = arith.constant 0 : i32
      %dma_start3A_410 = arith.constant 0 : i32
      %dma_start3A_411 = tpu.memref_slice %arg4[%add3A_404, %dma_start3A_409, %dma_start3A_410] : memref<16384x200x128xf32, #tpu.memory_space<hbm>> -> memref<1x200x128xf32, #tpu.memory_space<hbm>>
      %dma_start3A_412 = tpu.memref_squeeze %dma_start3A_411 : memref<1x200x128xf32, #tpu.memory_space<hbm>> -> memref<200x128xf32, #tpu.memory_space<hbm>>
      tpu.enqueue_dma source(%arg12 : memref<200x128xf32, #tpu.memory_space<vmem>>) target(%dma_start3A_412 : memref<200x128xf32, #tpu.memory_space<hbm>>) target_semaphore(%arg24 : memref<!tpu.dma_semaphore, #tpu.memory_space<semaphore_mem>>)
      %add3A_413 = arith.constant 4 : i32
      %add3A_414 = arith.addi %sub3A_400, %add3A_413 : i32
      %add3A_415 = arith.addi %mul3A_2, %add3A_414 : i32
      %dma_start3A_416 = arith.constant 0 : i32
      %dma_start3A_417 = tpu.memref_slice %arg2[%add3A_415, %dma_start3A_416] : memref<16384x200xi32, #tpu.memory_space<hbm>> -> memref<1x200xi32, #tpu.memory_space<hbm>>
      %dma_start3A_418 = tpu.memref_squeeze %dma_start3A_417 : memref<1x200xi32, #tpu.memory_space<hbm>> -> memref<200xi32, #tpu.memory_space<hbm>>
      %dma_start3A_419 = arith.constant 0 : i32
      %dma_start3A_420 = tpu.memref_slice %arg2[%add3A_415, %dma_start3A_419] : memref<16384x200xi32, #tpu.memory_space<hbm>> -> memref<1x200xi32, #tpu.memory_space<hbm>>
      %dma_start3A_421 = tpu.memref_squeeze %dma_start3A_420 : memref<1x200xi32, #tpu.memory_space<hbm>> -> memref<200xi32, #tpu.memory_space<hbm>>
      tpu.enqueue_dma source(%dma_start3A_421 : memref<200xi32, #tpu.memory_space<hbm>>) target(%arg8 : memref<200xi32, #tpu.memory_space<vmem>>) target_semaphore(%arg16 : memref<!tpu.dma_semaphore, #tpu.memory_space<semaphore_mem>>)
      %mul3A_422 = arith.constant 4 : i32
      %mul3A_423 = arith.muli %scan3A_326, %mul3A_422 : i32
      %add3A_424 = arith.constant 4 : i32
      %add3A_425 = arith.addi %add3A_424, %mul3A_423 : i32
      %add3A_426 = arith.constant 2 : i32
      %add3A_427 = arith.addi %add3A_425, %add3A_426 : i32
      %dma_wait3A_428 = arith.constant 0 : i32
      %dma_wait3A_429 = arith.constant 0 : i32
      %dma_wait3A_430 = tpu.memref_slice %arg2[%dma_wait3A_428, %dma_wait3A_429] : memref<16384x200xi32, #tpu.memory_space<hbm>> -> memref<1x200xi32, #tpu.memory_space<hbm>>
      %dma_wait3A_431 = tpu.memref_squeeze %dma_wait3A_430 : memref<1x200xi32, #tpu.memory_space<hbm>> -> memref<200xi32, #tpu.memory_space<hbm>>
      %dma_wait3A_432 = arith.constant 0 : i32
      %dma_wait3A_433 = tpu.memref_slice %arg2[%dma_wait3A_428, %dma_wait3A_432] : memref<16384x200xi32, #tpu.memory_space<hbm>> -> memref<1x200xi32, #tpu.memory_space<hbm>>
      %dma_wait3A_434 = tpu.memref_squeeze %dma_wait3A_433 : memref<1x200xi32, #tpu.memory_space<hbm>> -> memref<200xi32, #tpu.memory_space<hbm>>
      tpu.wait_dma2 semaphore(%arg15 : memref<!tpu.dma_semaphore, #tpu.memory_space<semaphore_mem>>) src(%dma_wait3A_434 : memref<200xi32, #tpu.memory_space<hbm>>) dst(%arg7 : memref<200xi32, #tpu.memory_space<vmem>>)
      %dma_wait3A_435 = arith.constant 0 : i32
      %dma_wait3A_436 = arith.constant 0 : i32
      %dma_wait3A_437 = arith.constant 0 : i32
      %dma_wait3A_438 = tpu.memref_slice %arg4[%dma_wait3A_435, %dma_wait3A_436, %dma_wait3A_437] : memref<16384x200x128xf32, #tpu.memory_space<hbm>> -> memref<1x200x128xf32, #tpu.memory_space<hbm>>
      %dma_wait3A_439 = tpu.memref_squeeze %dma_wait3A_438 : memref<1x200x128xf32, #tpu.memory_space<hbm>> -> memref<200x128xf32, #tpu.memory_space<hbm>>
      %dma_wait3A_440 = arith.constant 0 : i32
      %dma_wait3A_441 = arith.constant 0 : i32
      %dma_wait3A_442 = tpu.memref_slice %arg4[%dma_wait3A_435, %dma_wait3A_440, %dma_wait3A_441] : memref<16384x200x128xf32, #tpu.memory_space<hbm>> -> memref<1x200x128xf32, #tpu.memory_space<hbm>>
      %dma_wait3A_443 = tpu.memref_squeeze %dma_wait3A_442 : memref<1x200x128xf32, #tpu.memory_space<hbm>> -> memref<200x128xf32, #tpu.memory_space<hbm>>
      tpu.wait_dma2 semaphore(%arg23 : memref<!tpu.dma_semaphore, #tpu.memory_space<semaphore_mem>>) src(%arg11 : memref<200x128xf32, #tpu.memory_space<vmem>>) dst(%dma_wait3A_443 : memref<200x128xf32, #tpu.memory_space<hbm>>)
      %dma_start3A_444 = arith.constant 0 : i32
      %dma_start3A_445 = arith.constant 0 : i32
      %dma_start3A_446 = tpu.memref_slice %arg3[%dma_start3A_444, %dma_start3A_445] : memref<1000000x128xf32, #tpu.memory_space<hbm>> -> memref<1000000x128xf32, #tpu.memory_space<hbm>>
      tpu.enqueue_indirect_dma source(%dma_start3A_446 : memref<1000000x128xf32, #tpu.memory_space<hbm>>) target(%arg11 : memref<200x128xf32, #tpu.memory_space<vmem>>) offsets(%arg7 : memref<200xi32, #tpu.memory_space<vmem>>) semaphore(%arg19 : memref<!tpu.dma_semaphore, #tpu.memory_space<semaphore_mem>>)
      %sub3A_447 = arith.constant 2 : i32
      %sub3A_448 = arith.subi %add3A_427, %sub3A_447 : i32
      %dma_wait3A_449 = arith.constant 0 : i32
      %dma_wait3A_450 = arith.constant 0 : i32
      %dma_wait3A_451 = tpu.memref_slice %arg3[%dma_wait3A_449, %dma_wait3A_450] : memref<1000000x128xf32, #tpu.memory_space<hbm>> -> memref<1000000x128xf32, #tpu.memory_space<hbm>>
      tpu.wait_indirect_dma semaphore(%arg17 : memref<!tpu.dma_semaphore, #tpu.memory_space<semaphore_mem>>) src(%dma_wait3A_451 : memref<1000000x128xf32, #tpu.memory_space<hbm>>) dst(%arg9 : memref<200x128xf32, #tpu.memory_space<vmem>>)
      %add3A_452 = arith.addi %mul3A_2, %sub3A_448 : i32
      %dma_start3A_453 = arith.constant 0 : i32
      %dma_start3A_454 = arith.constant 0 : i32
      %dma_start3A_455 = tpu.memref_slice %arg4[%add3A_452, %dma_start3A_453, %dma_start3A_454] : memref<16384x200x128xf32, #tpu.memory_space<hbm>> -> memref<1x200x128xf32, #tpu.memory_space<hbm>>
      %dma_start3A_456 = tpu.memref_squeeze %dma_start3A_455 : memref<1x200x128xf32, #tpu.memory_space<hbm>> -> memref<200x128xf32, #tpu.memory_space<hbm>>
      %dma_start3A_457 = arith.constant 0 : i32
      %dma_start3A_458 = arith.constant 0 : i32
      %dma_start3A_459 = tpu.memref_slice %arg4[%add3A_452, %dma_start3A_457, %dma_start3A_458] : memref<16384x200x128xf32, #tpu.memory_space<hbm>> -> memref<1x200x128xf32, #tpu.memory_space<hbm>>
      %dma_start3A_460 = tpu.memref_squeeze %dma_start3A_459 : memref<1x200x128xf32, #tpu.memory_space<hbm>> -> memref<200x128xf32, #tpu.memory_space<hbm>>
      tpu.enqueue_dma source(%arg9 : memref<200x128xf32, #tpu.memory_space<vmem>>) target(%dma_start3A_460 : memref<200x128xf32, #tpu.memory_space<hbm>>) target_semaphore(%arg21 : memref<!tpu.dma_semaphore, #tpu.memory_space<semaphore_mem>>)
      %add3A_461 = arith.constant 4 : i32
      %add3A_462 = arith.addi %sub3A_448, %add3A_461 : i32
      %add3A_463 = arith.addi %mul3A_2, %add3A_462 : i32
      %dma_start3A_464 = arith.constant 0 : i32
      %dma_start3A_465 = tpu.memref_slice %arg2[%add3A_463, %dma_start3A_464] : memref<16384x200xi32, #tpu.memory_space<hbm>> -> memref<1x200xi32, #tpu.memory_space<hbm>>
      %dma_start3A_466 = tpu.memref_squeeze %dma_start3A_465 : memref<1x200xi32, #tpu.memory_space<hbm>> -> memref<200xi32, #tpu.memory_space<hbm>>
      %dma_start3A_467 = arith.constant 0 : i32
      %dma_start3A_468 = tpu.memref_slice %arg2[%add3A_463, %dma_start3A_467] : memref<16384x200xi32, #tpu.memory_space<hbm>> -> memref<1x200xi32, #tpu.memory_space<hbm>>
      %dma_start3A_469 = tpu.memref_squeeze %dma_start3A_468 : memref<1x200xi32, #tpu.memory_space<hbm>> -> memref<200xi32, #tpu.memory_space<hbm>>
      tpu.enqueue_dma source(%dma_start3A_469 : memref<200xi32, #tpu.memory_space<hbm>>) target(%arg5 : memref<200xi32, #tpu.memory_space<vmem>>) target_semaphore(%arg13 : memref<!tpu.dma_semaphore, #tpu.memory_space<semaphore_mem>>)
      %mul3A_470 = arith.constant 4 : i32
      %mul3A_471 = arith.muli %scan3A_326, %mul3A_470 : i32
      %add3A_472 = arith.constant 4 : i32
      %add3A_473 = arith.addi %add3A_472, %mul3A_471 : i32
      %add3A_474 = arith.constant 3 : i32
      %add3A_475 = arith.addi %add3A_473, %add3A_474 : i32
      %dma_wait3A_476 = arith.constant 0 : i32
      %dma_wait3A_477 = arith.constant 0 : i32
      %dma_wait3A_478 = tpu.memref_slice %arg2[%dma_wait3A_476, %dma_wait3A_477] : memref<16384x200xi32, #tpu.memory_space<hbm>> -> memref<1x200xi32, #tpu.memory_space<hbm>>
      %dma_wait3A_479 = tpu.memref_squeeze %dma_wait3A_478 : memref<1x200xi32, #tpu.memory_space<hbm>> -> memref<200xi32, #tpu.memory_space<hbm>>
      %dma_wait3A_480 = arith.constant 0 : i32
      %dma_wait3A_481 = tpu.memref_slice %arg2[%dma_wait3A_476, %dma_wait3A_480] : memref<16384x200xi32, #tpu.memory_space<hbm>> -> memref<1x200xi32, #tpu.memory_space<hbm>>
      %dma_wait3A_482 = tpu.memref_squeeze %dma_wait3A_481 : memref<1x200xi32, #tpu.memory_space<hbm>> -> memref<200xi32, #tpu.memory_space<hbm>>
      tpu.wait_dma2 semaphore(%arg16 : memref<!tpu.dma_semaphore, #tpu.memory_space<semaphore_mem>>) src(%dma_wait3A_482 : memref<200xi32, #tpu.memory_space<hbm>>) dst(%arg8 : memref<200xi32, #tpu.memory_space<vmem>>)
      %dma_wait3A_483 = arith.constant 0 : i32
      %dma_wait3A_484 = arith.constant 0 : i32
      %dma_wait3A_485 = arith.constant 0 : i32
      %dma_wait3A_486 = tpu.memref_slice %arg4[%dma_wait3A_483, %dma_wait3A_484, %dma_wait3A_485] : memref<16384x200x128xf32, #tpu.memory_space<hbm>> -> memref<1x200x128xf32, #tpu.memory_space<hbm>>
      %dma_wait3A_487 = tpu.memref_squeeze %dma_wait3A_486 : memref<1x200x128xf32, #tpu.memory_space<hbm>> -> memref<200x128xf32, #tpu.memory_space<hbm>>
      %dma_wait3A_488 = arith.constant 0 : i32
      %dma_wait3A_489 = arith.constant 0 : i32
      %dma_wait3A_490 = tpu.memref_slice %arg4[%dma_wait3A_483, %dma_wait3A_488, %dma_wait3A_489] : memref<16384x200x128xf32, #tpu.memory_space<hbm>> -> memref<1x200x128xf32, #tpu.memory_space<hbm>>
      %dma_wait3A_491 = tpu.memref_squeeze %dma_wait3A_490 : memref<1x200x128xf32, #tpu.memory_space<hbm>> -> memref<200x128xf32, #tpu.memory_space<hbm>>
      tpu.wait_dma2 semaphore(%arg24 : memref<!tpu.dma_semaphore, #tpu.memory_space<semaphore_mem>>) src(%arg12 : memref<200x128xf32, #tpu.memory_space<vmem>>) dst(%dma_wait3A_491 : memref<200x128xf32, #tpu.memory_space<hbm>>)
      %dma_start3A_492 = arith.constant 0 : i32
      %dma_start3A_493 = arith.constant 0 : i32
      %dma_start3A_494 = tpu.memref_slice %arg3[%dma_start3A_492, %dma_start3A_493] : memref<1000000x128xf32, #tpu.memory_space<hbm>> -> memref<1000000x128xf32, #tpu.memory_space<hbm>>
      tpu.enqueue_indirect_dma source(%dma_start3A_494 : memref<1000000x128xf32, #tpu.memory_space<hbm>>) target(%arg12 : memref<200x128xf32, #tpu.memory_space<vmem>>) offsets(%arg8 : memref<200xi32, #tpu.memory_space<vmem>>) semaphore(%arg20 : memref<!tpu.dma_semaphore, #tpu.memory_space<semaphore_mem>>)
      %sub3A_495 = arith.constant 2 : i32
      %sub3A_496 = arith.subi %add3A_475, %sub3A_495 : i32
      %dma_wait3A_497 = arith.constant 0 : i32
      %dma_wait3A_498 = arith.constant 0 : i32
      %dma_wait3A_499 = tpu.memref_slice %arg3[%dma_wait3A_497, %dma_wait3A_498] : memref<1000000x128xf32, #tpu.memory_space<hbm>> -> memref<1000000x128xf32, #tpu.memory_space<hbm>>
      tpu.wait_indirect_dma semaphore(%arg18 : memref<!tpu.dma_semaphore, #tpu.memory_space<semaphore_mem>>) src(%dma_wait3A_499 : memref<1000000x128xf32, #tpu.memory_space<hbm>>) dst(%arg10 : memref<200x128xf32, #tpu.memory_space<vmem>>)
      %add3A_500 = arith.addi %mul3A_2, %sub3A_496 : i32
      %dma_start3A_501 = arith.constant 0 : i32
      %dma_start3A_502 = arith.constant 0 : i32
      %dma_start3A_503 = tpu.memref_slice %arg4[%add3A_500, %dma_start3A_501, %dma_start3A_502] : memref<16384x200x128xf32, #tpu.memory_space<hbm>> -> memref<1x200x128xf32, #tpu.memory_space<hbm>>
      %dma_start3A_504 = tpu.memref_squeeze %dma_start3A_503 : memref<1x200x128xf32, #tpu.memory_space<hbm>> -> memref<200x128xf32, #tpu.memory_space<hbm>>
      %dma_start3A_505 = arith.constant 0 : i32
      %dma_start3A_506 = arith.constant 0 : i32
      %dma_start3A_507 = tpu.memref_slice %arg4[%add3A_500, %dma_start3A_505, %dma_start3A_506] : memref<16384x200x128xf32, #tpu.memory_space<hbm>> -> memref<1x200x128xf32, #tpu.memory_space<hbm>>
      %dma_start3A_508 = tpu.memref_squeeze %dma_start3A_507 : memref<1x200x128xf32, #tpu.memory_space<hbm>> -> memref<200x128xf32, #tpu.memory_space<hbm>>
      tpu.enqueue_dma source(%arg10 : memref<200x128xf32, #tpu.memory_space<vmem>>) target(%dma_start3A_508 : memref<200x128xf32, #tpu.memory_space<hbm>>) target_semaphore(%arg22 : memref<!tpu.dma_semaphore, #tpu.memory_space<semaphore_mem>>)
      %add3A_509 = arith.constant 4 : i32
      %add3A_510 = arith.addi %sub3A_496, %add3A_509 : i32
      %add3A_511 = arith.addi %mul3A_2, %add3A_510 : i32
      %dma_start3A_512 = arith.constant 0 : i32
      %dma_start3A_513 = tpu.memref_slice %arg2[%add3A_511, %dma_start3A_512] : memref<16384x200xi32, #tpu.memory_space<hbm>> -> memref<1x200xi32, #tpu.memory_space<hbm>>
      %dma_start3A_514 = tpu.memref_squeeze %dma_start3A_513 : memref<1x200xi32, #tpu.memory_space<hbm>> -> memref<200xi32, #tpu.memory_space<hbm>>
      %dma_start3A_515 = arith.constant 0 : i32
      %dma_start3A_516 = tpu.memref_slice %arg2[%add3A_511, %dma_start3A_515] : memref<16384x200xi32, #tpu.memory_space<hbm>> -> memref<1x200xi32, #tpu.memory_space<hbm>>
      %dma_start3A_517 = tpu.memref_squeeze %dma_start3A_516 : memref<1x200xi32, #tpu.memory_space<hbm>> -> memref<200xi32, #tpu.memory_space<hbm>>
      tpu.enqueue_dma source(%dma_start3A_517 : memref<200xi32, #tpu.memory_space<hbm>>) target(%arg6 : memref<200xi32, #tpu.memory_space<vmem>>) target_semaphore(%arg14 : memref<!tpu.dma_semaphore, #tpu.memory_space<semaphore_mem>>)
    }
    %scan3A_119 = arith.constant 126 : i32
    %dma_wait3A_120 = arith.constant 0 : i32
    %dma_wait3A_121 = arith.constant 0 : i32
    %dma_wait3A_122 = tpu.memref_slice %arg2[%dma_wait3A_120, %dma_wait3A_121] : memref<16384x200xi32, #tpu.memory_space<hbm>> -> memref<1x200xi32, #tpu.memory_space<hbm>>
    %dma_wait3A_123 = tpu.memref_squeeze %dma_wait3A_122 : memref<1x200xi32, #tpu.memory_space<hbm>> -> memref<200xi32, #tpu.memory_space<hbm>>
    %dma_wait3A_124 = arith.constant 0 : i32
    %dma_wait3A_125 = tpu.memref_slice %arg2[%dma_wait3A_120, %dma_wait3A_124] : memref<16384x200xi32, #tpu.memory_space<hbm>> -> memref<1x200xi32, #tpu.memory_space<hbm>>
    %dma_wait3A_126 = tpu.memref_squeeze %dma_wait3A_125 : memref<1x200xi32, #tpu.memory_space<hbm>> -> memref<200xi32, #tpu.memory_space<hbm>>
    tpu.wait_dma2 semaphore(%arg13 : memref<!tpu.dma_semaphore, #tpu.memory_space<semaphore_mem>>) src(%dma_wait3A_126 : memref<200xi32, #tpu.memory_space<hbm>>) dst(%arg5 : memref<200xi32, #tpu.memory_space<vmem>>)
    %dma_wait3A_127 = arith.constant 0 : i32
    %dma_wait3A_128 = arith.constant 0 : i32
    %dma_wait3A_129 = arith.constant 0 : i32
    %dma_wait3A_130 = tpu.memref_slice %arg4[%dma_wait3A_127, %dma_wait3A_128, %dma_wait3A_129] : memref<16384x200x128xf32, #tpu.memory_space<hbm>> -> memref<1x200x128xf32, #tpu.memory_space<hbm>>
    %dma_wait3A_131 = tpu.memref_squeeze %dma_wait3A_130 : memref<1x200x128xf32, #tpu.memory_space<hbm>> -> memref<200x128xf32, #tpu.memory_space<hbm>>
    %dma_wait3A_132 = arith.constant 0 : i32
    %dma_wait3A_133 = arith.constant 0 : i32
    %dma_wait3A_134 = tpu.memref_slice %arg4[%dma_wait3A_127, %dma_wait3A_132, %dma_wait3A_133] : memref<16384x200x128xf32, #tpu.memory_space<hbm>> -> memref<1x200x128xf32, #tpu.memory_space<hbm>>
    %dma_wait3A_135 = tpu.memref_squeeze %dma_wait3A_134 : memref<1x200x128xf32, #tpu.memory_space<hbm>> -> memref<200x128xf32, #tpu.memory_space<hbm>>
    tpu.wait_dma2 semaphore(%arg21 : memref<!tpu.dma_semaphore, #tpu.memory_space<semaphore_mem>>) src(%arg9 : memref<200x128xf32, #tpu.memory_space<vmem>>) dst(%dma_wait3A_135 : memref<200x128xf32, #tpu.memory_space<hbm>>)
    %dma_start3A_136 = arith.constant 0 : i32
    %dma_start3A_137 = arith.constant 0 : i32
    %dma_start3A_138 = tpu.memref_slice %arg3[%dma_start3A_136, %dma_start3A_137] : memref<1000000x128xf32, #tpu.memory_space<hbm>> -> memref<1000000x128xf32, #tpu.memory_space<hbm>>
    tpu.enqueue_indirect_dma source(%dma_start3A_138 : memref<1000000x128xf32, #tpu.memory_space<hbm>>) target(%arg9 : memref<200x128xf32, #tpu.memory_space<vmem>>) offsets(%arg5 : memref<200xi32, #tpu.memory_space<vmem>>) semaphore(%arg17 : memref<!tpu.dma_semaphore, #tpu.memory_space<semaphore_mem>>)
    %dma_wait3A_139 = arith.constant 0 : i32
    %dma_wait3A_140 = arith.constant 0 : i32
    %dma_wait3A_141 = tpu.memref_slice %arg3[%dma_wait3A_139, %dma_wait3A_140] : memref<1000000x128xf32, #tpu.memory_space<hbm>> -> memref<1000000x128xf32, #tpu.memory_space<hbm>>
    tpu.wait_indirect_dma semaphore(%arg19 : memref<!tpu.dma_semaphore, #tpu.memory_space<semaphore_mem>>) src(%dma_wait3A_141 : memref<1000000x128xf32, #tpu.memory_space<hbm>>) dst(%arg11 : memref<200x128xf32, #tpu.memory_space<vmem>>)
    %add3A_142 = arith.constant 506 : i32
    %add3A_143 = arith.addi %mul3A_2, %add3A_142 : i32
    %dma_start3A_144 = arith.constant 0 : i32
    %dma_start3A_145 = arith.constant 0 : i32
    %dma_start3A_146 = tpu.memref_slice %arg4[%add3A_143, %dma_start3A_144, %dma_start3A_145] : memref<16384x200x128xf32, #tpu.memory_space<hbm>> -> memref<1x200x128xf32, #tpu.memory_space<hbm>>
    %dma_start3A_147 = tpu.memref_squeeze %dma_start3A_146 : memref<1x200x128xf32, #tpu.memory_space<hbm>> -> memref<200x128xf32, #tpu.memory_space<hbm>>
    %dma_start3A_148 = arith.constant 0 : i32
    %dma_start3A_149 = arith.constant 0 : i32
    %dma_start3A_150 = tpu.memref_slice %arg4[%add3A_143, %dma_start3A_148, %dma_start3A_149] : memref<16384x200x128xf32, #tpu.memory_space<hbm>> -> memref<1x200x128xf32, #tpu.memory_space<hbm>>
    %dma_start3A_151 = tpu.memref_squeeze %dma_start3A_150 : memref<1x200x128xf32, #tpu.memory_space<hbm>> -> memref<200x128xf32, #tpu.memory_space<hbm>>
    tpu.enqueue_dma source(%arg11 : memref<200x128xf32, #tpu.memory_space<vmem>>) target(%dma_start3A_151 : memref<200x128xf32, #tpu.memory_space<hbm>>) target_semaphore(%arg23 : memref<!tpu.dma_semaphore, #tpu.memory_space<semaphore_mem>>)
    %add3A_152 = arith.constant 510 : i32
    %add3A_153 = arith.addi %mul3A_2, %add3A_152 : i32
    %dma_start3A_154 = arith.constant 0 : i32
    %dma_start3A_155 = tpu.memref_slice %arg2[%add3A_153, %dma_start3A_154] : memref<16384x200xi32, #tpu.memory_space<hbm>> -> memref<1x200xi32, #tpu.memory_space<hbm>>
    %dma_start3A_156 = tpu.memref_squeeze %dma_start3A_155 : memref<1x200xi32, #tpu.memory_space<hbm>> -> memref<200xi32, #tpu.memory_space<hbm>>
    %dma_start3A_157 = arith.constant 0 : i32
    %dma_start3A_158 = tpu.memref_slice %arg2[%add3A_153, %dma_start3A_157] : memref<16384x200xi32, #tpu.memory_space<hbm>> -> memref<1x200xi32, #tpu.memory_space<hbm>>
    %dma_start3A_159 = tpu.memref_squeeze %dma_start3A_158 : memref<1x200xi32, #tpu.memory_space<hbm>> -> memref<200xi32, #tpu.memory_space<hbm>>
    tpu.enqueue_dma source(%dma_start3A_159 : memref<200xi32, #tpu.memory_space<hbm>>) target(%arg7 : memref<200xi32, #tpu.memory_space<vmem>>) target_semaphore(%arg15 : memref<!tpu.dma_semaphore, #tpu.memory_space<semaphore_mem>>)
    %dma_wait3A_160 = arith.constant 0 : i32
    %dma_wait3A_161 = arith.constant 0 : i32
    %dma_wait3A_162 = tpu.memref_slice %arg2[%dma_wait3A_160, %dma_wait3A_161] : memref<16384x200xi32, #tpu.memory_space<hbm>> -> memref<1x200xi32, #tpu.memory_space<hbm>>
    %dma_wait3A_163 = tpu.memref_squeeze %dma_wait3A_162 : memref<1x200xi32, #tpu.memory_space<hbm>> -> memref<200xi32, #tpu.memory_space<hbm>>
    %dma_wait3A_164 = arith.constant 0 : i32
    %dma_wait3A_165 = tpu.memref_slice %arg2[%dma_wait3A_160, %dma_wait3A_164] : memref<16384x200xi32, #tpu.memory_space<hbm>> -> memref<1x200xi32, #tpu.memory_space<hbm>>
    %dma_wait3A_166 = tpu.memref_squeeze %dma_wait3A_165 : memref<1x200xi32, #tpu.memory_space<hbm>> -> memref<200xi32, #tpu.memory_space<hbm>>
    tpu.wait_dma2 semaphore(%arg14 : memref<!tpu.dma_semaphore, #tpu.memory_space<semaphore_mem>>) src(%dma_wait3A_166 : memref<200xi32, #tpu.memory_space<hbm>>) dst(%arg6 : memref<200xi32, #tpu.memory_space<vmem>>)
    %dma_wait3A_167 = arith.constant 0 : i32
    %dma_wait3A_168 = arith.constant 0 : i32
    %dma_wait3A_169 = arith.constant 0 : i32
    %dma_wait3A_170 = tpu.memref_slice %arg4[%dma_wait3A_167, %dma_wait3A_168, %dma_wait3A_169] : memref<16384x200x128xf32, #tpu.memory_space<hbm>> -> memref<1x200x128xf32, #tpu.memory_space<hbm>>
    %dma_wait3A_171 = tpu.memref_squeeze %dma_wait3A_170 : memref<1x200x128xf32, #tpu.memory_space<hbm>> -> memref<200x128xf32, #tpu.memory_space<hbm>>
    %dma_wait3A_172 = arith.constant 0 : i32
    %dma_wait3A_173 = arith.constant 0 : i32
    %dma_wait3A_174 = tpu.memref_slice %arg4[%dma_wait3A_167, %dma_wait3A_172, %dma_wait3A_173] : memref<16384x200x128xf32, #tpu.memory_space<hbm>> -> memref<1x200x128xf32, #tpu.memory_space<hbm>>
    %dma_wait3A_175 = tpu.memref_squeeze %dma_wait3A_174 : memref<1x200x128xf32, #tpu.memory_space<hbm>> -> memref<200x128xf32, #tpu.memory_space<hbm>>
    tpu.wait_dma2 semaphore(%arg22 : memref<!tpu.dma_semaphore, #tpu.memory_space<semaphore_mem>>) src(%arg10 : memref<200x128xf32, #tpu.memory_space<vmem>>) dst(%dma_wait3A_175 : memref<200x128xf32, #tpu.memory_space<hbm>>)
    %dma_start3A_176 = arith.constant 0 : i32
    %dma_start3A_177 = arith.constant 0 : i32
    %dma_start3A_178 = tpu.memref_slice %arg3[%dma_start3A_176, %dma_start3A_177] : memref<1000000x128xf32, #tpu.memory_space<hbm>> -> memref<1000000x128xf32, #tpu.memory_space<hbm>>
    tpu.enqueue_indirect_dma source(%dma_start3A_178 : memref<1000000x128xf32, #tpu.memory_space<hbm>>) target(%arg10 : memref<200x128xf32, #tpu.memory_space<vmem>>) offsets(%arg6 : memref<200xi32, #tpu.memory_space<vmem>>) semaphore(%arg18 : memref<!tpu.dma_semaphore, #tpu.memory_space<semaphore_mem>>)
    %dma_wait3A_179 = arith.constant 0 : i32
    %dma_wait3A_180 = arith.constant 0 : i32
    %dma_wait3A_181 = tpu.memref_slice %arg3[%dma_wait3A_179, %dma_wait3A_180] : memref<1000000x128xf32, #tpu.memory_space<hbm>> -> memref<1000000x128xf32, #tpu.memory_space<hbm>>
    tpu.wait_indirect_dma semaphore(%arg20 : memref<!tpu.dma_semaphore, #tpu.memory_space<semaphore_mem>>) src(%dma_wait3A_181 : memref<1000000x128xf32, #tpu.memory_space<hbm>>) dst(%arg12 : memref<200x128xf32, #tpu.memory_space<vmem>>)
    %add3A_182 = arith.constant 507 : i32
    %add3A_183 = arith.addi %mul3A_2, %add3A_182 : i32
    %dma_start3A_184 = arith.constant 0 : i32
    %dma_start3A_185 = arith.constant 0 : i32
    %dma_start3A_186 = tpu.memref_slice %arg4[%add3A_183, %dma_start3A_184, %dma_start3A_185] : memref<16384x200x128xf32, #tpu.memory_space<hbm>> -> memref<1x200x128xf32, #tpu.memory_space<hbm>>
    %dma_start3A_187 = tpu.memref_squeeze %dma_start3A_186 : memref<1x200x128xf32, #tpu.memory_space<hbm>> -> memref<200x128xf32, #tpu.memory_space<hbm>>
    %dma_start3A_188 = arith.constant 0 : i32
    %dma_start3A_189 = arith.constant 0 : i32
    %dma_start3A_190 = tpu.memref_slice %arg4[%add3A_183, %dma_start3A_188, %dma_start3A_189] : memref<16384x200x128xf32, #tpu.memory_space<hbm>> -> memref<1x200x128xf32, #tpu.memory_space<hbm>>
    %dma_start3A_191 = tpu.memref_squeeze %dma_start3A_190 : memref<1x200x128xf32, #tpu.memory_space<hbm>> -> memref<200x128xf32, #tpu.memory_space<hbm>>
    tpu.enqueue_dma source(%arg12 : memref<200x128xf32, #tpu.memory_space<vmem>>) target(%dma_start3A_191 : memref<200x128xf32, #tpu.memory_space<hbm>>) target_semaphore(%arg24 : memref<!tpu.dma_semaphore, #tpu.memory_space<semaphore_mem>>)
    %add3A_192 = arith.constant 511 : i32
    %add3A_193 = arith.addi %mul3A_2, %add3A_192 : i32
    %dma_start3A_194 = arith.constant 0 : i32
    %dma_start3A_195 = tpu.memref_slice %arg2[%add3A_193, %dma_start3A_194] : memref<16384x200xi32, #tpu.memory_space<hbm>> -> memref<1x200xi32, #tpu.memory_space<hbm>>
    %dma_start3A_196 = tpu.memref_squeeze %dma_start3A_195 : memref<1x200xi32, #tpu.memory_space<hbm>> -> memref<200xi32, #tpu.memory_space<hbm>>
    %dma_start3A_197 = arith.constant 0 : i32
    %dma_start3A_198 = tpu.memref_slice %arg2[%add3A_193, %dma_start3A_197] : memref<16384x200xi32, #tpu.memory_space<hbm>> -> memref<1x200xi32, #tpu.memory_space<hbm>>
    %dma_start3A_199 = tpu.memref_squeeze %dma_start3A_198 : memref<1x200xi32, #tpu.memory_space<hbm>> -> memref<200xi32, #tpu.memory_space<hbm>>
    tpu.enqueue_dma source(%dma_start3A_199 : memref<200xi32, #tpu.memory_space<hbm>>) target(%arg8 : memref<200xi32, #tpu.memory_space<vmem>>) target_semaphore(%arg16 : memref<!tpu.dma_semaphore, #tpu.memory_space<semaphore_mem>>)
    %dma_wait3A_200 = arith.constant 0 : i32
    %dma_wait3A_201 = arith.constant 0 : i32
    %dma_wait3A_202 = tpu.memref_slice %arg2[%dma_wait3A_200, %dma_wait3A_201] : memref<16384x200xi32, #tpu.memory_space<hbm>> -> memref<1x200xi32, #tpu.memory_space<hbm>>
    %dma_wait3A_203 = tpu.memref_squeeze %dma_wait3A_202 : memref<1x200xi32, #tpu.memory_space<hbm>> -> memref<200xi32, #tpu.memory_space<hbm>>
    %dma_wait3A_204 = arith.constant 0 : i32
    %dma_wait3A_205 = tpu.memref_slice %arg2[%dma_wait3A_200, %dma_wait3A_204] : memref<16384x200xi32, #tpu.memory_space<hbm>> -> memref<1x200xi32, #tpu.memory_space<hbm>>
    %dma_wait3A_206 = tpu.memref_squeeze %dma_wait3A_205 : memref<1x200xi32, #tpu.memory_space<hbm>> -> memref<200xi32, #tpu.memory_space<hbm>>
    tpu.wait_dma2 semaphore(%arg15 : memref<!tpu.dma_semaphore, #tpu.memory_space<semaphore_mem>>) src(%dma_wait3A_206 : memref<200xi32, #tpu.memory_space<hbm>>) dst(%arg7 : memref<200xi32, #tpu.memory_space<vmem>>)
    %dma_wait3A_207 = arith.constant 0 : i32
    %dma_wait3A_208 = arith.constant 0 : i32
    %dma_wait3A_209 = arith.constant 0 : i32
    %dma_wait3A_210 = tpu.memref_slice %arg4[%dma_wait3A_207, %dma_wait3A_208, %dma_wait3A_209] : memref<16384x200x128xf32, #tpu.memory_space<hbm>> -> memref<1x200x128xf32, #tpu.memory_space<hbm>>
    %dma_wait3A_211 = tpu.memref_squeeze %dma_wait3A_210 : memref<1x200x128xf32, #tpu.memory_space<hbm>> -> memref<200x128xf32, #tpu.memory_space<hbm>>
    %dma_wait3A_212 = arith.constant 0 : i32
    %dma_wait3A_213 = arith.constant 0 : i32
    %dma_wait3A_214 = tpu.memref_slice %arg4[%dma_wait3A_207, %dma_wait3A_212, %dma_wait3A_213] : memref<16384x200x128xf32, #tpu.memory_space<hbm>> -> memref<1x200x128xf32, #tpu.memory_space<hbm>>
    %dma_wait3A_215 = tpu.memref_squeeze %dma_wait3A_214 : memref<1x200x128xf32, #tpu.memory_space<hbm>> -> memref<200x128xf32, #tpu.memory_space<hbm>>
    tpu.wait_dma2 semaphore(%arg23 : memref<!tpu.dma_semaphore, #tpu.memory_space<semaphore_mem>>) src(%arg11 : memref<200x128xf32, #tpu.memory_space<vmem>>) dst(%dma_wait3A_215 : memref<200x128xf32, #tpu.memory_space<hbm>>)
    %dma_start3A_216 = arith.constant 0 : i32
    %dma_start3A_217 = arith.constant 0 : i32
    %dma_start3A_218 = tpu.memref_slice %arg3[%dma_start3A_216, %dma_start3A_217] : memref<1000000x128xf32, #tpu.memory_space<hbm>> -> memref<1000000x128xf32, #tpu.memory_space<hbm>>
    tpu.enqueue_indirect_dma source(%dma_start3A_218 : memref<1000000x128xf32, #tpu.memory_space<hbm>>) target(%arg11 : memref<200x128xf32, #tpu.memory_space<vmem>>) offsets(%arg7 : memref<200xi32, #tpu.memory_space<vmem>>) semaphore(%arg19 : memref<!tpu.dma_semaphore, #tpu.memory_space<semaphore_mem>>)
    %dma_wait3A_219 = arith.constant 0 : i32
    %dma_wait3A_220 = arith.constant 0 : i32
    %dma_wait3A_221 = tpu.memref_slice %arg3[%dma_wait3A_219, %dma_wait3A_220] : memref<1000000x128xf32, #tpu.memory_space<hbm>> -> memref<1000000x128xf32, #tpu.memory_space<hbm>>
    tpu.wait_indirect_dma semaphore(%arg17 : memref<!tpu.dma_semaphore, #tpu.memory_space<semaphore_mem>>) src(%dma_wait3A_221 : memref<1000000x128xf32, #tpu.memory_space<hbm>>) dst(%arg9 : memref<200x128xf32, #tpu.memory_space<vmem>>)
    %add3A_222 = arith.constant 508 : i32
    %add3A_223 = arith.addi %mul3A_2, %add3A_222 : i32
    %dma_start3A_224 = arith.constant 0 : i32
    %dma_start3A_225 = arith.constant 0 : i32
    %dma_start3A_226 = tpu.memref_slice %arg4[%add3A_223, %dma_start3A_224, %dma_start3A_225] : memref<16384x200x128xf32, #tpu.memory_space<hbm>> -> memref<1x200x128xf32, #tpu.memory_space<hbm>>
    %dma_start3A_227 = tpu.memref_squeeze %dma_start3A_226 : memref<1x200x128xf32, #tpu.memory_space<hbm>> -> memref<200x128xf32, #tpu.memory_space<hbm>>
    %dma_start3A_228 = arith.constant 0 : i32
    %dma_start3A_229 = arith.constant 0 : i32
    %dma_start3A_230 = tpu.memref_slice %arg4[%add3A_223, %dma_start3A_228, %dma_start3A_229] : memref<16384x200x128xf32, #tpu.memory_space<hbm>> -> memref<1x200x128xf32, #tpu.memory_space<hbm>>
    %dma_start3A_231 = tpu.memref_squeeze %dma_start3A_230 : memref<1x200x128xf32, #tpu.memory_space<hbm>> -> memref<200x128xf32, #tpu.memory_space<hbm>>
    tpu.enqueue_dma source(%arg9 : memref<200x128xf32, #tpu.memory_space<vmem>>) target(%dma_start3A_231 : memref<200x128xf32, #tpu.memory_space<hbm>>) target_semaphore(%arg21 : memref<!tpu.dma_semaphore, #tpu.memory_space<semaphore_mem>>)
    %dma_wait3A_232 = arith.constant 0 : i32
    %dma_wait3A_233 = arith.constant 0 : i32
    %dma_wait3A_234 = tpu.memref_slice %arg2[%dma_wait3A_232, %dma_wait3A_233] : memref<16384x200xi32, #tpu.memory_space<hbm>> -> memref<1x200xi32, #tpu.memory_space<hbm>>
    %dma_wait3A_235 = tpu.memref_squeeze %dma_wait3A_234 : memref<1x200xi32, #tpu.memory_space<hbm>> -> memref<200xi32, #tpu.memory_space<hbm>>
    %dma_wait3A_236 = arith.constant 0 : i32
    %dma_wait3A_237 = tpu.memref_slice %arg2[%dma_wait3A_232, %dma_wait3A_236] : memref<16384x200xi32, #tpu.memory_space<hbm>> -> memref<1x200xi32, #tpu.memory_space<hbm>>
    %dma_wait3A_238 = tpu.memref_squeeze %dma_wait3A_237 : memref<1x200xi32, #tpu.memory_space<hbm>> -> memref<200xi32, #tpu.memory_space<hbm>>
    tpu.wait_dma2 semaphore(%arg16 : memref<!tpu.dma_semaphore, #tpu.memory_space<semaphore_mem>>) src(%dma_wait3A_238 : memref<200xi32, #tpu.memory_space<hbm>>) dst(%arg8 : memref<200xi32, #tpu.memory_space<vmem>>)
    %dma_wait3A_239 = arith.constant 0 : i32
    %dma_wait3A_240 = arith.constant 0 : i32
    %dma_wait3A_241 = arith.constant 0 : i32
    %dma_wait3A_242 = tpu.memref_slice %arg4[%dma_wait3A_239, %dma_wait3A_240, %dma_wait3A_241] : memref<16384x200x128xf32, #tpu.memory_space<hbm>> -> memref<1x200x128xf32, #tpu.memory_space<hbm>>
    %dma_wait3A_243 = tpu.memref_squeeze %dma_wait3A_242 : memref<1x200x128xf32, #tpu.memory_space<hbm>> -> memref<200x128xf32, #tpu.memory_space<hbm>>
    %dma_wait3A_244 = arith.constant 0 : i32
    %dma_wait3A_245 = arith.constant 0 : i32
    %dma_wait3A_246 = tpu.memref_slice %arg4[%dma_wait3A_239, %dma_wait3A_244, %dma_wait3A_245] : memref<16384x200x128xf32, #tpu.memory_space<hbm>> -> memref<1x200x128xf32, #tpu.memory_space<hbm>>
    %dma_wait3A_247 = tpu.memref_squeeze %dma_wait3A_246 : memref<1x200x128xf32, #tpu.memory_space<hbm>> -> memref<200x128xf32, #tpu.memory_space<hbm>>
    tpu.wait_dma2 semaphore(%arg24 : memref<!tpu.dma_semaphore, #tpu.memory_space<semaphore_mem>>) src(%arg12 : memref<200x128xf32, #tpu.memory_space<vmem>>) dst(%dma_wait3A_247 : memref<200x128xf32, #tpu.memory_space<hbm>>)
    %dma_start3A_248 = arith.constant 0 : i32
    %dma_start3A_249 = arith.constant 0 : i32
    %dma_start3A_250 = tpu.memref_slice %arg3[%dma_start3A_248, %dma_start3A_249] : memref<1000000x128xf32, #tpu.memory_space<hbm>> -> memref<1000000x128xf32, #tpu.memory_space<hbm>>
    tpu.enqueue_indirect_dma source(%dma_start3A_250 : memref<1000000x128xf32, #tpu.memory_space<hbm>>) target(%arg12 : memref<200x128xf32, #tpu.memory_space<vmem>>) offsets(%arg8 : memref<200xi32, #tpu.memory_space<vmem>>) semaphore(%arg20 : memref<!tpu.dma_semaphore, #tpu.memory_space<semaphore_mem>>)
    %dma_wait3A_251 = arith.constant 0 : i32
    %dma_wait3A_252 = arith.constant 0 : i32
    %dma_wait3A_253 = tpu.memref_slice %arg3[%dma_wait3A_251, %dma_wait3A_252] : memref<1000000x128xf32, #tpu.memory_space<hbm>> -> memref<1000000x128xf32, #tpu.memory_space<hbm>>
    tpu.wait_indirect_dma semaphore(%arg18 : memref<!tpu.dma_semaphore, #tpu.memory_space<semaphore_mem>>) src(%dma_wait3A_253 : memref<1000000x128xf32, #tpu.memory_space<hbm>>) dst(%arg10 : memref<200x128xf32, #tpu.memory_space<vmem>>)
    %add3A_254 = arith.constant 509 : i32
    %add3A_255 = arith.addi %mul3A_2, %add3A_254 : i32
    %dma_start3A_256 = arith.constant 0 : i32
    %dma_start3A_257 = arith.constant 0 : i32
    %dma_start3A_258 = tpu.memref_slice %arg4[%add3A_255, %dma_start3A_256, %dma_start3A_257] : memref<16384x200x128xf32, #tpu.memory_space<hbm>> -> memref<1x200x128xf32, #tpu.memory_space<hbm>>
    %dma_start3A_259 = tpu.memref_squeeze %dma_start3A_258 : memref<1x200x128xf32, #tpu.memory_space<hbm>> -> memref<200x128xf32, #tpu.memory_space<hbm>>
    %dma_start3A_260 = arith.constant 0 : i32
    %dma_start3A_261 = arith.constant 0 : i32
    %dma_start3A_262 = tpu.memref_slice %arg4[%add3A_255, %dma_start3A_260, %dma_start3A_261] : memref<16384x200x128xf32, #tpu.memory_space<hbm>> -> memref<1x200x128xf32, #tpu.memory_space<hbm>>
    %dma_start3A_263 = tpu.memref_squeeze %dma_start3A_262 : memref<1x200x128xf32, #tpu.memory_space<hbm>> -> memref<200x128xf32, #tpu.memory_space<hbm>>
    tpu.enqueue_dma source(%arg10 : memref<200x128xf32, #tpu.memory_space<vmem>>) target(%dma_start3A_263 : memref<200x128xf32, #tpu.memory_space<hbm>>) target_semaphore(%arg22 : memref<!tpu.dma_semaphore, #tpu.memory_space<semaphore_mem>>)
    %dma_wait3A_264 = arith.constant 0 : i32
    %dma_wait3A_265 = arith.constant 0 : i32
    %dma_wait3A_266 = tpu.memref_slice %arg3[%dma_wait3A_264, %dma_wait3A_265] : memref<1000000x128xf32, #tpu.memory_space<hbm>> -> memref<1000000x128xf32, #tpu.memory_space<hbm>>
    tpu.wait_indirect_dma semaphore(%arg19 : memref<!tpu.dma_semaphore, #tpu.memory_space<semaphore_mem>>) src(%dma_wait3A_266 : memref<1000000x128xf32, #tpu.memory_space<hbm>>) dst(%arg11 : memref<200x128xf32, #tpu.memory_space<vmem>>)
    %add3A_267 = arith.constant 510 : i32
    %add3A_268 = arith.addi %mul3A_2, %add3A_267 : i32
    %dma_start3A_269 = arith.constant 0 : i32
    %dma_start3A_270 = arith.constant 0 : i32
    %dma_start3A_271 = tpu.memref_slice %arg4[%add3A_268, %dma_start3A_269, %dma_start3A_270] : memref<16384x200x128xf32, #tpu.memory_space<hbm>> -> memref<1x200x128xf32, #tpu.memory_space<hbm>>
    %dma_start3A_272 = tpu.memref_squeeze %dma_start3A_271 : memref<1x200x128xf32, #tpu.memory_space<hbm>> -> memref<200x128xf32, #tpu.memory_space<hbm>>
    %dma_start3A_273 = arith.constant 0 : i32
    %dma_start3A_274 = arith.constant 0 : i32
    %dma_start3A_275 = tpu.memref_slice %arg4[%add3A_268, %dma_start3A_273, %dma_start3A_274] : memref<16384x200x128xf32, #tpu.memory_space<hbm>> -> memref<1x200x128xf32, #tpu.memory_space<hbm>>
    %dma_start3A_276 = tpu.memref_squeeze %dma_start3A_275 : memref<1x200x128xf32, #tpu.memory_space<hbm>> -> memref<200x128xf32, #tpu.memory_space<hbm>>
    tpu.enqueue_dma source(%arg11 : memref<200x128xf32, #tpu.memory_space<vmem>>) target(%dma_start3A_276 : memref<200x128xf32, #tpu.memory_space<hbm>>) target_semaphore(%arg23 : memref<!tpu.dma_semaphore, #tpu.memory_space<semaphore_mem>>)
    %dma_wait3A_277 = arith.constant 0 : i32
    %dma_wait3A_278 = arith.constant 0 : i32
    %dma_wait3A_279 = tpu.memref_slice %arg3[%dma_wait3A_277, %dma_wait3A_278] : memref<1000000x128xf32, #tpu.memory_space<hbm>> -> memref<1000000x128xf32, #tpu.memory_space<hbm>>
    tpu.wait_indirect_dma semaphore(%arg20 : memref<!tpu.dma_semaphore, #tpu.memory_space<semaphore_mem>>) src(%dma_wait3A_279 : memref<1000000x128xf32, #tpu.memory_space<hbm>>) dst(%arg12 : memref<200x128xf32, #tpu.memory_space<vmem>>)
    %add3A_280 = arith.constant 511 : i32
    %add3A_281 = arith.addi %mul3A_2, %add3A_280 : i32
    %dma_start3A_282 = arith.constant 0 : i32
    %dma_start3A_283 = arith.constant 0 : i32
    %dma_start3A_284 = tpu.memref_slice %arg4[%add3A_281, %dma_start3A_282, %dma_start3A_283] : memref<16384x200x128xf32, #tpu.memory_space<hbm>> -> memref<1x200x128xf32, #tpu.memory_space<hbm>>
    %dma_start3A_285 = tpu.memref_squeeze %dma_start3A_284 : memref<1x200x128xf32, #tpu.memory_space<hbm>> -> memref<200x128xf32, #tpu.memory_space<hbm>>
    %dma_start3A_286 = arith.constant 0 : i32
    %dma_start3A_287 = arith.constant 0 : i32
    %dma_start3A_288 = tpu.memref_slice %arg4[%add3A_281, %dma_start3A_286, %dma_start3A_287] : memref<16384x200x128xf32, #tpu.memory_space<hbm>> -> memref<1x200x128xf32, #tpu.memory_space<hbm>>
    %dma_start3A_289 = tpu.memref_squeeze %dma_start3A_288 : memref<1x200x128xf32, #tpu.memory_space<hbm>> -> memref<200x128xf32, #tpu.memory_space<hbm>>
    tpu.enqueue_dma source(%arg12 : memref<200x128xf32, #tpu.memory_space<vmem>>) target(%dma_start3A_289 : memref<200x128xf32, #tpu.memory_space<hbm>>) target_semaphore(%arg24 : memref<!tpu.dma_semaphore, #tpu.memory_space<semaphore_mem>>)
    %dma_wait3A_290 = arith.constant 0 : i32
    %dma_wait3A_291 = arith.constant 0 : i32
    %dma_wait3A_292 = arith.constant 0 : i32
    %dma_wait3A_293 = tpu.memref_slice %arg4[%dma_wait3A_290, %dma_wait3A_291, %dma_wait3A_292] : memref<16384x200x128xf32, #tpu.memory_space<hbm>> -> memref<1x200x128xf32, #tpu.memory_space<hbm>>
    %dma_wait3A_294 = tpu.memref_squeeze %dma_wait3A_293 : memref<1x200x128xf32, #tpu.memory_space<hbm>> -> memref<200x128xf32, #tpu.memory_space<hbm>>
    %dma_wait3A_295 = arith.constant 0 : i32
    %dma_wait3A_296 = arith.constant 0 : i32
    %dma_wait3A_297 = tpu.memref_slice %arg4[%dma_wait3A_290, %dma_wait3A_295, %dma_wait3A_296] : memref<16384x200x128xf32, #tpu.memory_space<hbm>> -> memref<1x200x128xf32, #tpu.memory_space<hbm>>
    %dma_wait3A_298 = tpu.memref_squeeze %dma_wait3A_297 : memref<1x200x128xf32, #tpu.memory_space<hbm>> -> memref<200x128xf32, #tpu.memory_space<hbm>>
    tpu.wait_dma2 semaphore(%arg21 : memref<!tpu.dma_semaphore, #tpu.memory_space<semaphore_mem>>) src(%arg9 : memref<200x128xf32, #tpu.memory_space<vmem>>) dst(%dma_wait3A_298 : memref<200x128xf32, #tpu.memory_space<hbm>>)
    %dma_wait3A_299 = arith.constant 0 : i32
    %dma_wait3A_300 = arith.constant 0 : i32
    %dma_wait3A_301 = arith.constant 0 : i32
    %dma_wait3A_302 = tpu.memref_slice %arg4[%dma_wait3A_299, %dma_wait3A_300, %dma_wait3A_301] : memref<16384x200x128xf32, #tpu.memory_space<hbm>> -> memref<1x200x128xf32, #tpu.memory_space<hbm>>
    %dma_wait3A_303 = tpu.memref_squeeze %dma_wait3A_302 : memref<1x200x128xf32, #tpu.memory_space<hbm>> -> memref<200x128xf32, #tpu.memory_space<hbm>>
    %dma_wait3A_304 = arith.constant 0 : i32
    %dma_wait3A_305 = arith.constant 0 : i32
    %dma_wait3A_306 = tpu.memref_slice %arg4[%dma_wait3A_299, %dma_wait3A_304, %dma_wait3A_305] : memref<16384x200x128xf32, #tpu.memory_space<hbm>> -> memref<1x200x128xf32, #tpu.memory_space<hbm>>
    %dma_wait3A_307 = tpu.memref_squeeze %dma_wait3A_306 : memref<1x200x128xf32, #tpu.memory_space<hbm>> -> memref<200x128xf32, #tpu.memory_space<hbm>>
    tpu.wait_dma2 semaphore(%arg22 : memref<!tpu.dma_semaphore, #tpu.memory_space<semaphore_mem>>) src(%arg10 : memref<200x128xf32, #tpu.memory_space<vmem>>) dst(%dma_wait3A_307 : memref<200x128xf32, #tpu.memory_space<hbm>>)
    %dma_wait3A_308 = arith.constant 0 : i32
    %dma_wait3A_309 = arith.constant 0 : i32
    %dma_wait3A_310 = arith.constant 0 : i32
    %dma_wait3A_311 = tpu.memref_slice %arg4[%dma_wait3A_308, %dma_wait3A_309, %dma_wait3A_310] : memref<16384x200x128xf32, #tpu.memory_space<hbm>> -> memref<1x200x128xf32, #tpu.memory_space<hbm>>
    %dma_wait3A_312 = tpu.memref_squeeze %dma_wait3A_311 : memref<1x200x128xf32, #tpu.memory_space<hbm>> -> memref<200x128xf32, #tpu.memory_space<hbm>>
    %dma_wait3A_313 = arith.constant 0 : i32
    %dma_wait3A_314 = arith.constant 0 : i32
    %dma_wait3A_315 = tpu.memref_slice %arg4[%dma_wait3A_308, %dma_wait3A_313, %dma_wait3A_314] : memref<16384x200x128xf32, #tpu.memory_space<hbm>> -> memref<1x200x128xf32, #tpu.memory_space<hbm>>
    %dma_wait3A_316 = tpu.memref_squeeze %dma_wait3A_315 : memref<1x200x128xf32, #tpu.memory_space<hbm>> -> memref<200x128xf32, #tpu.memory_space<hbm>>
    tpu.wait_dma2 semaphore(%arg23 : memref<!tpu.dma_semaphore, #tpu.memory_space<semaphore_mem>>) src(%arg11 : memref<200x128xf32, #tpu.memory_space<vmem>>) dst(%dma_wait3A_316 : memref<200x128xf32, #tpu.memory_space<hbm>>)
    %dma_wait3A_317 = arith.constant 0 : i32
    %dma_wait3A_318 = arith.constant 0 : i32
    %dma_wait3A_319 = arith.constant 0 : i32
    %dma_wait3A_320 = tpu.memref_slice %arg4[%dma_wait3A_317, %dma_wait3A_318, %dma_wait3A_319] : memref<16384x200x128xf32, #tpu.memory_space<hbm>> -> memref<1x200x128xf32, #tpu.memory_space<hbm>>
    %dma_wait3A_321 = tpu.memref_squeeze %dma_wait3A_320 : memref<1x200x128xf32, #tpu.memory_space<hbm>> -> memref<200x128xf32, #tpu.memory_space<hbm>>
    %dma_wait3A_322 = arith.constant 0 : i32
    %dma_wait3A_323 = arith.constant 0 : i32
    %dma_wait3A_324 = tpu.memref_slice %arg4[%dma_wait3A_317, %dma_wait3A_322, %dma_wait3A_323] : memref<16384x200x128xf32, #tpu.memory_space<hbm>> -> memref<1x200x128xf32, #tpu.memory_space<hbm>>
    %dma_wait3A_325 = tpu.memref_squeeze %dma_wait3A_324 : memref<1x200x128xf32, #tpu.memory_space<hbm>> -> memref<200x128xf32, #tpu.memory_space<hbm>>
    tpu.wait_dma2 semaphore(%arg24 : memref<!tpu.dma_semaphore, #tpu.memory_space<semaphore_mem>>) src(%arg12 : memref<200x128xf32, #tpu.memory_space<vmem>>) dst(%dma_wait3A_325 : memref<200x128xf32, #tpu.memory_space<hbm>>)
    return
  }
}

</mosaic_0001>

<sc_bundles>
// kernel: kernel.3.cloned.1.call-start
scs
__scs_entry_jumppad:
0x0: {  	(pc) =	sbr.rel $0x88, $3  }
0x1: {  	(tag) =	ssettag $0x0;
	lr =	simm.s32 $0x1  }
0x2: {  	[smem:$0x3F9F] =	sst lr;
	_ =	strace $0xD0000000  }
0x3: {  	_ = 	snop  }
0x4: {  	_ = 	snop  }
0x5: {  	_ = 	snop  }
0x6: {  	_ = 	snop  }
0x7: {  	_ = 	snop  }
__scs_overlays_trampoline_lowered:
0x8: {  	[smem:$0x3FAE] =	sst s0  }
0x9: {  	[smem:$0x3FAF] =	sst s1  }
0xa: {  	[smem:$0x3FB0] =	sst s2  }
0xb: {  	[smem:$0x3FB1] =	sst s3  }
0xc: {  	[smem:$0x3FB2] =	sst s4  }
0xd: {  	[smem:$0x3FB3] =	sst s5  }
0xe: {  	[smem:$0x3FB4] =	sst s6  }
0xf: {  	[smem:$0x3FB5] =	sst s7  }
0x10: {  	[smem:$0x3FB6] =	sst s8  }
0x11: {  	[smem:$0x3FB7] =	sst s9;
	s0 =	simm.s32 @!p0 $0x0  }
0x12: {  	s1 =	sld [smem:$0x3F9D];
	s0 =	simm.s32 @p0 $0x1  }
0x13: {  	[smem:$0x3FB8] =	sst s0;
	s0 =	simm.s32 @!p1 $0x0  }
0x14: {  	s2 =	sld [smem:$0x3F9C];
	s0 =	simm.s32 @p1 $0x1  }
0x15: {  	[smem:$0x3FB9] =	sst s0;
	s0 =	simm.s32 @!p2 $0x0  }
0x16: {  	s3 =	sld [smem:$0x3FDB];
	s0 =	simm.s32 @p2 $0x1  }
0x17: {  	s4 =	simm.s32 $0x1BF5;
	[smem:$0x3FBB] =	sst s0  }
0x18: {  	s0 =	sld [smem:$0x3F9E];
	_ =	swait.ge [sflag:s4], $0x0  }
0x19: {  	s7 =	sld [smem:$0x3F9F]  }
0x1a: {  	s8 =	sadd.s32 $0xFFFFE003, lr  }
0x1b: {  	s9 =	sadd.s32 $0xFFFFFEF7, lr;
	s5 =	simm.s32 $0xFFFFFFFF;
	p2 =	slt.u32 s8, $0xFFFFF086  }
0x1c: {  	p1 =	slt.u32 s9, $0xF7A;
	s5 =	simm.s32 @!p2 $0x0  }
0x1d: {  	s5 =	simm.s32 @p1 $0x1;
	p0 =	seq.s32 s7, s2  }
0x1e: {  	s7 =	smul.u32 @!p0 $0xF7A, s2;
	p2 =	seq.s32 @!p0 s5, $0x0  }
0x1f: {  	s9 =	smul.u32 $0xF7A, s1;
	s8 =	simm.s32 @!p0 $0x1BF5;
	p2 =	por !p2, p0  }
0x20: {  	[sflag:s8] =	ssyncset.s32 @!p0 $0xFFFFF086;
	s6 =	sadd.s32 @!p0 s3, s7;
	s7 =	simm.s32 @!p0 $0x108  }
0x21: {  	s3 =	sadd.s32 s3, s9;
	s6 =	sadd.s32 @!p0 $0x88, s6;
	s7 =	simm.s32 @p2 $0x1082  }
0x22: {  	[simem:s7], [sflag:s8] =	dma.local @!p0 [hbm:s6], $0xF7A  }
0x23: {  	s9 =	sor.u32 $0xD0000000, s2;
	s6 =	simm.s32 $0x108;
	_ =	swait.ge @!p0 [sflag:s8], $0x0  }
0x24: {  	s3 =	sadd.s32 $0x88, s3;
	s6 =	simm.s32 @!p1 $0x1082;
	[sflag:s4] =	ssyncset.s32 $0xFFFFF086  }
0x25: {  	[simem:s6], [sflag:s4] =	dma.local [hbm:s3], $0xF7A  }
0x26: {  	[smem:$0x3F9F] =	sst s1;
	(tag) =	ssettag s2;
	_ =	strace s9  }
0x27: {  	s1 =	sld [smem:$0x3FAF]  }
0x28: {  	s2 =	sld [smem:$0x3FB0]  }
0x29: {  	s4 =	sld [smem:$0x3FB2]  }
0x2a: {  	p0 =	seq.s32 s5, $0x0;
	s5 =	sld [smem:$0x3FB3]  }
0x2b: {  	s6 =	sld [smem:$0x3FB4]  }
0x2c: {  	s7 =	sld [smem:$0x3FB5]  }
0x2d: {  	s3 =	simm.s32 $0x108;
	s8 =	sld [smem:$0x3FB6]  }
0x2e: {  	s3 =	simm.s32 @!p0 $0x1082;
	s9 =	sld [smem:$0x3FB7]  }
0x2f: {  	lr =	sadd.s32 s0, s3;
	s0 =	sld [smem:$0x3FAE]  }
0x30: {  	s3 =	sld [smem:$0x3FB1]  }
0x31: {  	[smem:$0x3FBA] =	sst s10  }
0x32: {  	s10 =	sld [smem:$0x3FB8];
	_ =	sdelay $0x3  }
0x33: {  	p0 =	seq.s32 s10, $0x1;
	s10 =	sld [smem:$0x3FBA];
	_ =	sdelay $0x3  }
0x34: {  	[smem:$0x3FBA] =	sst s10  }
0x35: {  	s10 =	sld [smem:$0x3FB9];
	_ =	sdelay $0x3  }
0x36: {  	p1 =	seq.s32 s10, $0x1;
	s10 =	sld [smem:$0x3FBA];
	_ =	sdelay $0x3  }
0x37: {  	[smem:$0x3FBA] =	sst s10  }
0x38: {  	s10 =	sld [smem:$0x3FBB]  }
0x39: {  	_ = 	snop;
	(pc) =	sbr.ind lr, $3  }
0x3a: {  	_ = 	snop  }
0x3b: {  	_ = 	snop  }
0x3c: {  	p2 =	seq.s32 s10, $0x1;
	s10 =	sld [smem:$0x3FBA]  }
0x3d: {  	_ =	shalt  }
0x3e: {  	_ =	shalt  }
0x3f: {  	_ =	shalt  }
0x40: {  	_ =	shalt  }
0x41: {  	_ =	shalt  }
0x42: {  	_ =	shalt  }
0x43: {  	_ =	shalt  }
0x44: {  	_ =	shalt  }
0x45: {  	_ =	shalt  }
0x46: {  	_ =	shalt  }
0x47: {  	_ =	shalt  }
0x48: {  	_ =	shalt  }
0x49: {  	_ =	shalt  }
0x4a: {  	_ =	shalt  }
0x4b: {  	_ =	shalt  }
0x4c: {  	_ =	shalt  }
0x4d: {  	_ =	shalt  }
0x4e: {  	_ =	shalt  }
0x4f: {  	_ =	shalt  }
0x50: {  	_ =	shalt  }
0x51: {  	_ =	shalt  }
0x52: {  	_ =	shalt  }
0x53: {  	_ =	shalt  }
0x54: {  	_ =	shalt  }
0x55: {  	_ =	shalt  }
0x56: {  	_ =	shalt  }
0x57: {  	_ =	shalt  }
0x58: {  	_ =	shalt  }
0x59: {  	_ =	shalt  }
0x5a: {  	_ =	shalt  }
0x5b: {  	_ =	shalt  }
0x5c: {  	_ =	shalt  }
0x5d: {  	_ =	shalt  }
0x5e: {  	_ =	shalt  }
0x5f: {  	_ =	shalt  }
0x60: {  	_ =	shalt  }
0x61: {  	_ =	shalt  }
0x62: {  	_ =	shalt  }
0x63: {  	_ =	shalt  }
0x64: {  	_ =	shalt  }
0x65: {  	_ =	shalt  }
0x66: {  	_ =	shalt  }
0x67: {  	_ =	shalt  }
0x68: {  	_ =	shalt  }
0x69: {  	_ =	shalt  }
0x6a: {  	_ =	shalt  }
0x6b: {  	_ =	shalt  }
0x6c: {  	_ =	shalt  }
0x6d: {  	_ =	shalt  }
0x6e: {  	_ =	shalt  }
0x6f: {  	_ =	shalt  }
0x70: {  	_ =	shalt  }
0x71: {  	_ =	shalt  }
0x72: {  	_ =	shalt  }
0x73: {  	_ =	shalt  }
0x74: {  	_ =	shalt  }
0x75: {  	_ =	shalt  }
0x76: {  	_ =	shalt  }
0x77: {  	_ =	shalt  }
0x78: {  	_ =	shalt  }
0x79: {  	_ =	shalt  }
0x7a: {  	_ =	shalt  }
0x7b: {  	_ =	shalt  }
0x7c: {  	_ =	shalt  }
0x7d: {  	_ =	shalt  }
0x7e: {  	_ =	shalt  }
0x7f: {  	_ =	shalt  }
0x80: {  	_ =	shalt  }
0x81: {  	_ =	shalt  }
0x82: {  	_ =	shalt  }
0x83: {  	_ =	shalt  }
0x84: {  	_ =	shalt  }
0x85: {  	_ =	shalt  }
0x86: {  	_ =	shalt  }
0x87: {  	_ =	shalt  }
.Lfunc_end0:
.L_simem_size_0:
called_computation.1_lowered:
.L_overlay_start_0:
0x88: {  	s2 =	sld [smem:$0x3FD9]  }
0x89: {  	s3 =	sld [smem:$0x3FFE];
	_ =	sdelay $0x1  }
0x8a: {  	s1 =	srdreg.scid  }
0x8b: {  	s0 =	sand.u32 $0x1, s1  }
0x8c: {  	s16 =	sshll.u32 s0, $0xA;
	s2 =	sadd.s32 s3, s2  }
0x8d: {  	s2 =	sadd.s32 s2, s16  }
0x8e: {  	[smem:$0x3FC6] =	sst s2  }
0x8f: {  	_ = 	snop  }
0x90: {  	(tm) =	ssettm $0x1  }
0x91: {  	s17 =	sld [smem:$0x3FFB];
	_ =	sdelay $0x3  }
0x92: {  	_ =	strace s17  }
0x93: {  	s2 =	sld [smem:$0x3FFC];
	_ =	sdelay $0x3  }
0x94: {  	_ =	strace s2  }
0x95: {  	s2 =	sld [smem:$0x3FFD];
	_ =	sdelay $0x3  }
0x96: {  	_ =	strace s2  }
0x97: {  	_ =	strace $0x8FFFFFFF  }
0x98: {  	s18 =	sld [smem:$0x3FDB];
	_ =	sdelay $0x1  }
0x99: {  	s19 =	simm.s32 $_scs_section_size  }
0x9a: {  	s4 =	simm.s32 $_size__tile_overlayer_lowered;
	s5 =	simm.s32 $_tile_overlayer_lowered  }
0x9b: {  	s22 =	simm.s32 $0x1BFF;
	s21 =	sshll.u32 s5, $0x1;
	s2 =	sadd.s32 s19, s18  }
0x9c: {  	s6 =	simm.s32 $0x0;
	s20 =	sshll.u32 s4, $0x1;
	s4 =	sadd.s32 s21, s2  }
0x9d: {  	[timem:s6], [sflag:s22] =	dma.local [hbm:s4], s20  }
0x9e: {  	_ =	swait.ge [sflag:s22], s20  }
0x9f: {  	s3 =	ssub.s32 $0x0, s20;
	[sflag:s22] =	ssyncset.done $0x0  }
0xa0: {  	[sflag:s22] =	ssyncadd.s32 s3;
	_ =	sdelay $0x1  }
0xa1: {  	s23 =	simm.s32 $0x1B8B  }
0xa2: {  	_ =	swait.ge [sflag:s23], $0x1  }
0xa3: {  	[sflag:s23] =	ssyncset.done $0x0  }
0xa4: {  	s25 =	simm.s32 $0x1B8E;
	s24 =	sld [smem:$0x3FFE];
	[sflag:s23] =	ssyncadd.s32 $0xFFFFFFFF  }
0xa5: {  	s26 =	simm.s32 $execute0_lowered;
	[smem:$0x3FD2] =	sst s25  }
0xa6: {  	s4 =	sshll.u32 s26, $0x1;
	_ =	strace $0x80000046;
	[dreg:$0x1] =	wrdreg $0xFFFFFFFF  }
0xa7: {  	s28 =	simm.s32 $_size_execute0_lowered;
	s2 =	sadd.s32 s2, s4;
	[dreg:$0x0] =	wrdreg $0x0  }
0xa8: {  	s4 =	sshll.u32 s28, $0x1;
	[dreg:$0x2] =	wrdreg s2  }
0xa9: {  	[dreg:$0x3] =	wrdreg s4  }
0xaa: {  	[dreg:$0x4] =	wrdreg $0xC0  }
0xab: {  	_ =	task [dreg:s6], $0x5FFFF  }
0xac: {  	[dreg:$0x1] =	wrdreg $0xFFFFFFFF  }
0xad: {  	[dreg:$0x0] =	wrdreg $0x60  }
0xae: {  	[dreg:$0x2] =	wrdreg s24  }
0xaf: {  	[dreg:$0x3] =	wrdreg $0x9  }
0xb0: {  	_ =	task.clear_ibuf [dreg:s6], $0x4FFFF;
	_ =	strace $0x90000046  }
0xb1: {  	s29 =	simm.s32 $0x9;
	_ =	strace $0x80000048  }
0xb2: {  	_ =	swait.ge [sflag:s29], $0x1  }
0xb3: {  	[sflag:s29] =	ssyncadd.s32 $0xFFFFFFFF  }
0xb4: {  	_ =	strace $0x90000048  }
0xb5: {  	_ =	sfence  }
0xb6: {  	s30 =	sld [smem:$0x0];
	_ =	sdelay $0x2  }
0xb7: {  	s31 =	sshll.u32 s1, $0xD;
	s1 =	sshrl.u32 s1, $0x2  }
0xb8: {  	s3 =	sand.u32 $0x4000, s31;
	s1 =	sadd.s32 s1, s30  }
0xb9: {  	s0 =	sor.u32 s3, s0;
	s1 =	sshll.u32 s1, $0x11  }
0xba: {  	s0 =	sor.u32 s1, s0  }
0xbb: {  	s0 =	sadd.s32 $0x8F2B, s0  }
0xbc: {  	[sflag:s0] =	ssyncadd.remote.s32 $0x1  }
0xbd: {  	_ =	sfence.sel $0xFFFF  }
0xbe: {  	[dreg:$0x0] =	wrdreg $0xFFFFFFFF;
	(pc) =	sbr.abs _section_cstart, $3  }
0xbf: {  	[dreg:$0x1] =	wrdreg $0xFFFFFFFF  }
0xc0: {  	_ =	task.clear_ibuf [dreg:s6], $0x2FFFF;
	_ =	strace $0x9FFFFFFF  }
0xc1: {  	(tm) =	ssettm $0x7FFFFFFF  }
tec
execute0_lowered:
.L_overlay_start_1:
0x0: {  	(tag) =	ssettag $0x1  }
0x1: {  	s0 =	rddreg [dreg:$0x0]  }
0x2: {  	s2 =	simm.s32 $0x0;
	s1 =	srdreg.scid;
	s11 =	stileid.u32  }
0x3: {  	s30 =	simm.s32 $0x1;
	s31 =	simm.s32 $0xC8;
	[smem:$0x7FF] =	sst s2  }
0x4: {  	s1 =	sand.u32 $0x1, s1;
	s5 =	sshll.u32 s11, $0xA;
	s3 =	sadd.s32 $0x800, s0  }
0x5: {  	s4 =	sadd.s32 $0x80800, s0;
	s0 =	sadd.s32 $0xFC2C00, s0;
	s23 =	smul.u32 $0x320000, s11  }
0x6: {  	_ =	strace $0x80000047;
	s6 =	sshll.u32 s1, $0x9;
	s28 =	ssub.s32 $0x2, s1  }
0x7: {  	s25 =	smul.u32 $0x190000, s1;
	s1 =	sshll.u32 s1, $0xE;
	s5 =	sor.u32 s6, s5  }
0x8: {  	s8 =	sshrl.u32 s28, $0x1;
	s7 =	sshll.u32 s5, $0x5;
	s29 =	smul.u32 $0xC80, s5  }
0x9: {  	s6 =	ssub.s32 s28, s8;
	s15 =	smul.u32 $0x6400, s5;
	s16 =	sor.u32 $0x1FE, s5  }
0xa: {  	s5 =	sor.u32 $0x1FF, s5;
	s28 =	sshll.u32 s11, $0xF;
	s9 =	sadd.s32 s3, s7  }
0xb: {  	s17 =	sshll.u32 s16, $0x5;
	s19 =	sshll.u32 s5, $0x5;
	s5 =	smul.u32 $0xC80, s5  }
0xc: {  	s26 =	smax.u32 s6, $0x1;
	s6 =	simm.s32 $0x3;
	[dreg:$0x2] =	wrdreg s9  }
0xd: {  	s10 =	sadd.s32 $0x10, s9;
	s12 =	sadd.s32 $0x20, s9;
	[dreg:$0x12] =	wrdreg s26  }
0xe: {  	s13 =	sadd.s32 $0x30, s9;
	s14 =	sadd.s32 s0, s29;
	[dreg:$0x3] =	wrdreg s10  }
0xf: {  	s7 =	sshrl.u32 s15, $0x3;
	s20 =	sand.u32 $0x7FF00, s19;
	[dreg:$0x4] =	wrdreg s12  }
0x10: {  	s29 =	sor.u32 s1, s28;
	s15 =	simm.s32 $0x8;
	[dreg:$0x5] =	wrdreg s13  }
0x11: {  	s1 =	simm.s32 $0x0;
	s10 =	sadd.s32 $0x40, s9;
	[dreg:$0x6] =	wrdreg s14  }
0x12: {  	s8 =	sadd.s32 $0xC80, s14;
	s9 =	sadd.s32 $0x50, s9;
	[dreg:$0x14] =	wrdreg s29  }
0x13: {  	s7 =	sadd.s32 s0, s7;
	s5 =	sadd.s32 s0, s5;
	[dreg:$0x7] =	wrdreg s10  }
0x14: {  	s12 =	simm.s32 $0x6;
	s13 =	simm.s32 $0x9;
	[dreg:$0x8] =	wrdreg s8  }
0x15: {  	s14 =	simm.s32 $0xA;
	[dreg:$0x9] =	wrdreg s9;
	s9 =	sand.u32 $0x7FF00, s17  }
0x16: {  	s18 =	sadd.s32 $0x18B500, s7;
	s8 =	smul.u32 $0xC80, s16;
	[dreg:$0x11] =	wrdreg s5  }
0x17: {  	s21 =	sadd.s32 $0x18C180, s7;
	s22 =	sadd.s32 $0x18CE00, s7;
	[dreg:$0xa] =	wrdreg s18  }
0x18: {  	s7 =	sadd.s32 $0x18DA80, s7;
	s10 =	simm.s32 $0x4;
	[dreg:$0xc] =	wrdreg s21  }
0x19: {  	s16 =	simm.s32 $0xB;
	s9 =	sadd.s32 s9, s3;
	[dreg:$0xe] =	wrdreg s22  }
0x1a: {  	s17 =	simm.s32 $0xC;
	[dreg:$0xf] =	wrdreg s7;
	s9 =	sadd.s32 $0x60, s9  }
0x1b: {  	s24 =	sadd.s32 s0, s8;
	s0 =	sadd.s32 s23, s0;
	[dreg:$0xb] =	wrdreg s9  }
0x1c: {  	s8 =	simm.s32 $0x5;
	s9 =	sadd.s32 s20, s3;
	[dreg:$0x10] =	wrdreg s24  }
0x1d: {  	s0 =	sadd.s32 s25, s0;
	s24 =	simm.s32 $0x80;
	s9 =	sadd.s32 $0x70, s9  }
0x1e: {  	s25 =	simm.s32 $0x400;
	s0 =	sadd.s32 $0x3E80, s0;
	[dreg:$0xd] =	wrdreg s9  }
0x1f: {  	[dreg:$0x13] =	wrdreg s0;
	s0 =	simm.s32 $0x2;
	s9 =	simm.s32 $0x7  }
.LBB2_1:
0x20: {  	[dreg:$0x15] =	wrdreg s1  }
0x21: {  	s5 =	rddreg [dreg:$0x2]  }
0x22: {  	[tilespmem:s2], [sflag:$0x1] =	stream.strided.gather [hbm4b:s5+s24], $0x100, s25, s24, $0x38;
	[tilespmem:$0x19400] =	vst v63  }
0x23: {  	s18 =	rddreg [dreg:$0x3];
	s22 =	simm.s32 $0x100  }
0x24: {  	[tilespmem:s22], [sflag:$0x2] =	stream.strided.gather [hbm4b:s18+s24], $0x100, s25, s24, $0x38;
	[tilespmem:$0x19400] =	vst v63  }
0x25: {  	s19 =	rddreg [dreg:$0x4];
	s23 =	simm.s32 $0x200  }
0x26: {  	[tilespmem:s23], [sflag:$0x3] =	stream.strided.gather [hbm4b:s19+s24], $0x100, s25, s24, $0x38;
	[tilespmem:$0x19400] =	vst v63  }
0x27: {  	s20 =	rddreg [dreg:$0x5];
	s1 =	simm.s32 $0x300  }
0x28: {  	[tilespmem:s1], [sflag:$0x4] =	stream.strided.gather [hbm4b:s20+s24], $0x100, s25, s24, $0x38;
	[tilespmem:$0x19400] =	vst v63  }
0x29: {  	_ =	swait.ge [sflag:s30], $0x100  }
0x2a: {  	[sflag:s30] =	ssyncset.done $0x0  }
0x2b: {  	[sflag:s30] =	ssyncadd.s32 $0xFFFFFF00  }
0x2c: {  	[tilespmem:s25], [sflag:$0x5] =	stream.indirect.gather [hbm4b:s4+s31], $0x80, s2, s31, $0xb8;
	[tilespmem:$0x19400] =	vst v63  }
0x2d: {  	_ =	swait.ge [sflag:s0], $0x100  }
0x2e: {  	[sflag:s0] =	ssyncset.done $0x0  }
0x2f: {  	s26 =	simm.s32 $0x6800;
	[sflag:s0] =	ssyncadd.s32 $0xFFFFFF00  }
0x30: {  	[tilespmem:s26], [sflag:$0x6] =	stream.indirect.gather [hbm4b:s4+s31], $0x80, s22, s31, $0xb8;
	[tilespmem:$0x19400] =	vst v63  }
0x31: {  	_ =	swait.ge [sflag:s6], $0x100  }
0x32: {  	[sflag:s6] =	ssyncset.done $0x0  }
0x33: {  	s7 =	simm.s32 $0xCC00;
	[sflag:s6] =	ssyncadd.s32 $0xFFFFFF00  }
0x34: {  	[tilespmem:s7], [sflag:$0x7] =	stream.indirect.gather [hbm4b:s4+s31], $0x80, s23, s31, $0xb8;
	[tilespmem:$0x19400] =	vst v63  }
0x35: {  	_ =	swait.ge [sflag:s8], $0x6400  }
0x36: {  	[sflag:s8] =	ssyncset.done $0x0  }
0x37: {  	s21 =	rddreg [dreg:$0x6];
	[sflag:s8] =	ssyncadd.s32 $0xFFFF9C00  }
0x38: {  	[hbm4b:s21+s2] =	stream.linear.scatter [tilespmem:s25], [sflag:$0x9], $0x6400, $0x38;
	[tilespmem:$0x19400] =	vst v63  }
0x39: {  	s28 =	rddreg [dreg:$0x7]  }
0x3a: {  	[tilespmem:s2], [sflag:$0x1] =	stream.strided.gather [hbm4b:s28+s24], $0x100, s25, s24, $0x38;
	[tilespmem:$0x19400] =	vst v63  }
0x3b: {  	_ =	swait.ge [sflag:s10], $0x100  }
0x3c: {  	[sflag:s10] =	ssyncset.done $0x0  }
0x3d: {  	s11 =	simm.s32 $0x13000;
	[sflag:s10] =	ssyncadd.s32 $0xFFFFFF00  }
0x3e: {  	[tilespmem:s11], [sflag:$0x8] =	stream.indirect.gather [hbm4b:s4+s31], $0x80, s1, s31, $0xb8;
	[tilespmem:$0x19400] =	vst v63  }
0x3f: {  	_ =	swait.ge [sflag:s12], $0x6400  }
0x40: {  	[sflag:s12] =	ssyncset.done $0x0  }
0x41: {  	s29 =	rddreg [dreg:$0x8];
	[sflag:s12] =	ssyncadd.s32 $0xFFFF9C00  }
0x42: {  	[hbm4b:s29+s2] =	stream.linear.scatter [tilespmem:s26], [sflag:$0xA], $0x6400, $0x38;
	[tilespmem:$0x19400] =	vst v63  }
0x43: {  	s18 =	rddreg [dreg:$0x9]  }
0x44: {  	[tilespmem:s22], [sflag:$0x2] =	stream.strided.gather [hbm4b:s18+s24], $0x100, s25, s24, $0x38;
	[tilespmem:$0x19400] =	vst v63  }
0x45: {  	_ =	swait.ge [sflag:s30], $0x100  }
0x46: {  	[sflag:s30] =	ssyncset.done $0x0  }
0x47: {  	[sflag:s30] =	ssyncadd.s32 $0xFFFFFF00  }
0x48: {  	_ =	swait.ge [sflag:s13], $0x6400  }
0x49: {  	[sflag:s13] =	ssyncset.done $0x0  }
0x4a: {  	[sflag:s13] =	ssyncadd.s32 $0xFFFF9C00  }
0x4b: {  	[tilespmem:s25], [sflag:$0x5] =	stream.indirect.gather [hbm4b:s4+s31], $0x80, s2, s31, $0xb8;
	[tilespmem:$0x19400] =	vst v63  }
0x4c: {  	_ =	swait.ge [sflag:s9], $0x6400  }
0x4d: {  	s19 =	simm.s32 $0x60;
	s18 =	rddreg [dreg:$0x13]  }
0x4e: {  	s5 =	sand.u32 $0x60, s19;
	[sflag:s9] =	ssyncset.done $0x0;
	s21 =	rddreg [dreg:$0x14]  }
0x4f: {  	[sflag:s9] =	ssyncadd.s32 $0xFFFF9C00;
	s19 =	sadd.s32 $0xFFFFDA80, s18;
	s20 =	sadd.s32 $0xC0, s21  }
0x50: {  	[hbm4b:s19+s2] =	stream.linear.scatter [tilespmem:s7], [sflag:$0xB], $0x6400, $0x38;
	[tilespmem:$0x19400] =	vst v63  }
0x51: {  	s5 =	sadd.s32 s3, s5;
	s20 =	sand.u32 $0xFFF00, s20  }
0x52: {  	s5 =	sadd.s32 s20, s5  }
0x53: {  	[tilespmem:s23], [sflag:$0x3] =	stream.strided.gather [hbm4b:s5+s24], $0x100, s25, s24, $0x38;
	[tilespmem:$0x19400] =	vst v63  }
0x54: {  	_ =	swait.ge [sflag:s0], $0x100  }
0x55: {  	[sflag:s0] =	ssyncset.done $0x0  }
0x56: {  	[sflag:s0] =	ssyncadd.s32 $0xFFFFFF00  }
0x57: {  	_ =	swait.ge [sflag:s14], $0x6400  }
0x58: {  	[sflag:s14] =	ssyncset.done $0x0  }
0x59: {  	[sflag:s14] =	ssyncadd.s32 $0xFFFF9C00  }
0x5a: {  	[tilespmem:s26], [sflag:$0x6] =	stream.indirect.gather [hbm4b:s4+s31], $0x80, s22, s31, $0xb8;
	[tilespmem:$0x19400] =	vst v63  }
0x5b: {  	s28 =	simm.s32 $0x70;
	s29 =	sadd.s32 $0xE0, s21;
	_ =	swait.ge [sflag:s15], $0x6400  }
0x5c: {  	s19 =	sand.u32 $0x70, s28;
	s20 =	sand.u32 $0xFFF00, s29;
	[sflag:s15] =	ssyncset.done $0x0  }
0x5d: {  	s19 =	sadd.s32 s3, s19;
	s26 =	sadd.s32 $0xFFFFE700, s18;
	[sflag:s15] =	ssyncadd.s32 $0xFFFF9C00  }
0x5e: {  	[hbm4b:s26+s2] =	stream.linear.scatter [tilespmem:s11], [sflag:$0xC], $0x6400, $0x38;
	[tilespmem:$0x19400] =	vst v63  }
0x5f: {  	s20 =	sadd.s32 s20, s19  }
0x60: {  	[tilespmem:s1], [sflag:$0x4] =	stream.strided.gather [hbm4b:s20+s24], $0x100, s25, s24, $0x38;
	[tilespmem:$0x19400] =	vst v63  }
0x61: {  	_ =	swait.ge [sflag:s6], $0x100  }
0x62: {  	[sflag:s6] =	ssyncset.done $0x0  }
0x63: {  	[sflag:s6] =	ssyncadd.s32 $0xFFFFFF00  }
0x64: {  	_ =	swait.ge [sflag:s16], $0x6400  }
0x65: {  	[sflag:s16] =	ssyncset.done $0x0  }
0x66: {  	[sflag:s16] =	ssyncadd.s32 $0xFFFF9C00  }
0x67: {  	[tilespmem:s7], [sflag:$0x7] =	stream.indirect.gather [hbm4b:s4+s31], $0x80, s23, s31, $0xb8;
	[tilespmem:$0x19400] =	vst v63  }
0x68: {  	s22 =	sand.u32 $0x40, s2;
	_ =	swait.ge [sflag:s8], $0x6400  }
0x69: {  	s5 =	sadd.s32 s3, s22;
	s26 =	sadd.s32 $0x100, s21;
	[sflag:s8] =	ssyncset.done $0x0  }
0x6a: {  	s20 =	sand.u32 $0xFFF00, s26;
	s23 =	sadd.s32 $0xFFFFF380, s18;
	[sflag:s8] =	ssyncadd.s32 $0xFFFF9C00  }
0x6b: {  	[hbm4b:s23+s2] =	stream.linear.scatter [tilespmem:s25], [sflag:$0x9], $0x6400, $0x38;
	[tilespmem:$0x19400] =	vst v63  }
0x6c: {  	s5 =	sadd.s32 s20, s5  }
0x6d: {  	[tilespmem:s2], [sflag:$0x1] =	stream.strided.gather [hbm4b:s5+s24], $0x100, s25, s24, $0x38;
	[tilespmem:$0x19400] =	vst v63  }
0x6e: {  	_ =	swait.ge [sflag:s10], $0x100  }
0x6f: {  	[sflag:s10] =	ssyncset.done $0x0  }
0x70: {  	s28 =	simm.s32 $0x90;
	[sflag:s10] =	ssyncadd.s32 $0xFFFFFF00  }
0x71: {  	s29 =	sand.u32 $0x50, s28;
	s19 =	simm.s32 $0x40;
	_ =	swait.ge [sflag:s17], $0x6400  }
0x72: {  	s22 =	smov.u32 s18;
	s20 =	sadd.s32 $0x80, s21;
	[sflag:s17] =	ssyncset.done $0x0  }
0x73: {  	s21 =	sadd.s32 $0x120, s21;
	s23 =	sadd.s32 s3, s29;
	[sflag:s17] =	ssyncadd.s32 $0xFFFF9C00  }
0x74: {  	[tilespmem:s11], [sflag:$0x8] =	stream.indirect.gather [hbm4b:s4+s31], $0x80, s1, s31, $0xb8;
	[tilespmem:$0x19400] =	vst v63  }
0x75: {  	s5 =	sand.u32 $0xFFF00, s21;
	s21 =	smov.u32 s18;
	_ =	swait.ge [sflag:s12], $0x6400  }
.LBB2_2:
0x76: {  	[sflag:s12] =	ssyncset.done $0x0;
	s18 =	sadd.s32 s5, s23;
	s21 =	sadd.s32 $0x3200, s21  }
0x77: {  	s5 =	smov.u32 s19;
	s23 =	smov.u32 s20;
	p0 =	sne.s32 s19, $0x1F40  }
0x78: {  	s19 =	sadd.s32 $0x40, s19;
	s7 =	simm.s32 $0x6800;
	[sflag:s12] =	ssyncadd.s32 $0xFFFF9C00  }
0x79: {  	[hbm4b:s22+s2] =	stream.linear.scatter [tilespmem:s7], [sflag:$0xA], $0x6400, $0x38;
	[tilespmem:$0x19400] =	vst v63  }
0x7a: {  	s29 =	simm.s32 $0x100;
	s22 =	smov.u32 s21  }
0x7b: {  	[tilespmem:s29], [sflag:$0x2] =	stream.strided.gather [hbm4b:s18+s24], $0x100, s25, s24, $0x38;
	[tilespmem:$0x19400] =	vst v63  }
0x7c: {  	_ =	swait.ge [sflag:s30], $0x100  }
0x7d: {  	[sflag:s30] =	ssyncset.done $0x0  }
0x7e: {  	[sflag:s30] =	ssyncadd.s32 $0xFFFFFF00  }
0x7f: {  	_ =	swait.ge [sflag:s13], $0x6400  }
0x80: {  	[sflag:s13] =	ssyncset.done $0x0  }
0x81: {  	s18 =	sadd.s32 $0x60, s5;
	[sflag:s13] =	ssyncadd.s32 $0xFFFF9C00  }
0x82: {  	[tilespmem:s25], [sflag:$0x5] =	stream.indirect.gather [hbm4b:s4+s31], $0x80, s2, s31, $0xb8;
	[tilespmem:$0x19400] =	vst v63  }
0x83: {  	s18 =	sand.u32 $0x60, s18;
	_ =	swait.ge [sflag:s9], $0x6400  }
0x84: {  	s28 =	sadd.s32 $0xC0, s20;
	s18 =	sadd.s32 s3, s18;
	[sflag:s9] =	ssyncset.done $0x0  }
0x85: {  	s11 =	simm.s32 $0xCC00;
	s26 =	sadd.s32 $0xFFFFDA80, s21;
	[sflag:s9] =	ssyncadd.s32 $0xFFFF9C00  }
0x86: {  	[hbm4b:s26+s2] =	stream.linear.scatter [tilespmem:s11], [sflag:$0xB], $0x6400, $0x38;
	[tilespmem:$0x19400] =	vst v63  }
0x87: {  	s26 =	sand.u32 $0xFFF00, s28  }
0x88: {  	s1 =	simm.s32 $0x200;
	s18 =	sadd.s32 s26, s18  }
0x89: {  	[tilespmem:s1], [sflag:$0x3] =	stream.strided.gather [hbm4b:s18+s24], $0x100, s25, s24, $0x38;
	[tilespmem:$0x19400] =	vst v63  }
0x8a: {  	_ =	swait.ge [sflag:s0], $0x100  }
0x8b: {  	[sflag:s0] =	ssyncset.done $0x0  }
0x8c: {  	[sflag:s0] =	ssyncadd.s32 $0xFFFFFF00  }
0x8d: {  	_ =	swait.ge [sflag:s14], $0x6400  }
0x8e: {  	s26 =	sadd.s32 $0x70, s5;
	s18 =	sadd.s32 $0xFFFFE700, s21;
	[sflag:s14] =	ssyncset.done $0x0  }
0x8f: {  	s28 =	sadd.s32 $0xE0, s20;
	s26 =	sand.u32 $0x70, s26;
	[sflag:s14] =	ssyncadd.s32 $0xFFFF9C00  }
0x90: {  	[tilespmem:s7], [sflag:$0x6] =	stream.indirect.gather [hbm4b:s4+s31], $0x80, s29, s31, $0xb8;
	[tilespmem:$0x19400] =	vst v63  }
0x91: {  	s28 =	sand.u32 $0xFFF00, s28;
	s26 =	sadd.s32 s3, s26;
	_ =	swait.ge [sflag:s15], $0x6400  }
0x92: {  	s26 =	sadd.s32 s28, s26;
	[sflag:s15] =	ssyncset.done $0x0  }
0x93: {  	s7 =	simm.s32 $0x13000;
	[sflag:s15] =	ssyncadd.s32 $0xFFFF9C00  }
0x94: {  	[hbm4b:s18+s2] =	stream.linear.scatter [tilespmem:s7], [sflag:$0xC], $0x6400, $0x38;
	[tilespmem:$0x19400] =	vst v63  }
0x95: {  	s29 =	simm.s32 $0x300  }
0x96: {  	[tilespmem:s29], [sflag:$0x4] =	stream.strided.gather [hbm4b:s26+s24], $0x100, s25, s24, $0x38;
	[tilespmem:$0x19400] =	vst v63  }
0x97: {  	_ =	swait.ge [sflag:s6], $0x100  }
0x98: {  	[sflag:s6] =	ssyncset.done $0x0  }
0x99: {  	[sflag:s6] =	ssyncadd.s32 $0xFFFFFF00  }
0x9a: {  	_ =	swait.ge [sflag:s16], $0x6400  }
0x9b: {  	s18 =	sand.u32 $0x40, s5;
	[sflag:s16] =	ssyncset.done $0x0  }
0x9c: {  	s28 =	sadd.s32 $0x100, s20;
	s26 =	sadd.s32 $0xFFFFF380, s21;
	[sflag:s16] =	ssyncadd.s32 $0xFFFF9C00  }
0x9d: {  	[tilespmem:s11], [sflag:$0x7] =	stream.indirect.gather [hbm4b:s4+s31], $0x80, s1, s31, $0xb8;
	[tilespmem:$0x19400] =	vst v63  }
0x9e: {  	s28 =	sand.u32 $0xFFF00, s28;
	s18 =	sadd.s32 s3, s18;
	_ =	swait.ge [sflag:s8], $0x6400  }
0x9f: {  	s18 =	sadd.s32 s28, s18;
	[sflag:s8] =	ssyncset.done $0x0  }
0xa0: {  	[sflag:s8] =	ssyncadd.s32 $0xFFFF9C00  }
0xa1: {  	[hbm4b:s26+s2] =	stream.linear.scatter [tilespmem:s25], [sflag:$0x9], $0x6400, $0x38;
	[tilespmem:$0x19400] =	vst v63  }
0xa2: {  	_ = 	snop  }
0xa3: {  	[tilespmem:s2], [sflag:$0x1] =	stream.strided.gather [hbm4b:s18+s24], $0x100, s25, s24, $0x38;
	[tilespmem:$0x19400] =	vst v63  }
0xa4: {  	_ =	swait.ge [sflag:s10], $0x100  }
0xa5: {  	[sflag:s10] =	ssyncset.done $0x0  }
0xa6: {  	[sflag:s10] =	ssyncadd.s32 $0xFFFFFF00  }
.Ltmp0:
0xa7: {  	_ =	swait.ge [sflag:s17], $0x6400;
	(pc) =	sbr.rel @p0 .LBB2_2-.Ltmp0, $4  }
0xa8: {  	s20 =	sadd.s32 $0x80, s20;
	s5 =	sadd.s32 $0x90, s5;
	[sflag:s17] =	ssyncset.done $0x0  }
0xa9: {  	s18 =	sadd.s32 $0x120, s23;
	s23 =	sand.u32 $0x50, s5;
	[sflag:s17] =	ssyncadd.s32 $0xFFFF9C00  }
0xaa: {  	[tilespmem:s7], [sflag:$0x8] =	stream.indirect.gather [hbm4b:s4+s31], $0x80, s29, s31, $0xb8;
	[tilespmem:$0x19400] =	vst v63  }
0xab: {  	s5 =	sand.u32 $0xFFF00, s18;
	s23 =	sadd.s32 s3, s23;
	_ =	swait.ge [sflag:s12], $0x6400  }
0xac: {  	[sflag:s12] =	ssyncset.done $0x0  }
0xad: {  	s7 =	simm.s32 $0x6800;
	[sflag:s12] =	ssyncadd.s32 $0xFFFF9C00  }
0xae: {  	[hbm4b:s22+s2] =	stream.linear.scatter [tilespmem:s7], [sflag:$0xA], $0x6400, $0x38;
	[tilespmem:$0x19400] =	vst v63  }
0xaf: {  	s5 =	sadd.s32 s5, s23;
	s18 =	simm.s32 $0x100  }
0xb0: {  	[tilespmem:s18], [sflag:$0x2] =	stream.strided.gather [hbm4b:s5+s24], $0x100, s25, s24, $0x38;
	[tilespmem:$0x19400] =	vst v63  }
0xb1: {  	_ =	swait.ge [sflag:s30], $0x100  }
0xb2: {  	[sflag:s30] =	ssyncset.done $0x0  }
0xb3: {  	[sflag:s30] =	ssyncadd.s32 $0xFFFFFF00  }
0xb4: {  	_ =	swait.ge [sflag:s13], $0x6400  }
0xb5: {  	[sflag:s13] =	ssyncset.done $0x0  }
0xb6: {  	[sflag:s13] =	ssyncadd.s32 $0xFFFF9C00  }
0xb7: {  	[tilespmem:s25], [sflag:$0x5] =	stream.indirect.gather [hbm4b:s4+s31], $0x80, s2, s31, $0xb8;
	[tilespmem:$0x19400] =	vst v63  }
0xb8: {  	_ =	swait.ge [sflag:s9], $0x6400  }
0xb9: {  	[sflag:s9] =	ssyncset.done $0x0  }
0xba: {  	s11 =	simm.s32 $0xCC00;
	s26 =	rddreg [dreg:$0xa];
	[sflag:s9] =	ssyncadd.s32 $0xFFFF9C00  }
0xbb: {  	[hbm4b:s26+s2] =	stream.linear.scatter [tilespmem:s11], [sflag:$0xB], $0x6400, $0x38;
	[tilespmem:$0x19400] =	vst v63  }
0xbc: {  	s1 =	simm.s32 $0x200;
	s28 =	rddreg [dreg:$0xb]  }
0xbd: {  	[tilespmem:s1], [sflag:$0x3] =	stream.strided.gather [hbm4b:s28+s24], $0x100, s25, s24, $0x38;
	[tilespmem:$0x19400] =	vst v63  }
0xbe: {  	_ =	swait.ge [sflag:s0], $0x100  }
0xbf: {  	[sflag:s0] =	ssyncset.done $0x0  }
0xc0: {  	[sflag:s0] =	ssyncadd.s32 $0xFFFFFF00  }
0xc1: {  	_ =	swait.ge [sflag:s14], $0x6400  }
0xc2: {  	[sflag:s14] =	ssyncset.done $0x0  }
0xc3: {  	[sflag:s14] =	ssyncadd.s32 $0xFFFF9C00  }
0xc4: {  	[tilespmem:s7], [sflag:$0x6] =	stream.indirect.gather [hbm4b:s4+s31], $0x80, s18, s31, $0xb8;
	[tilespmem:$0x19400] =	vst v63  }
0xc5: {  	_ =	swait.ge [sflag:s15], $0x6400  }
0xc6: {  	[sflag:s15] =	ssyncset.done $0x0  }
0xc7: {  	s19 =	simm.s32 $0x13000;
	s29 =	rddreg [dreg:$0xc];
	[sflag:s15] =	ssyncadd.s32 $0xFFFF9C00  }
0xc8: {  	[hbm4b:s29+s2] =	stream.linear.scatter [tilespmem:s19], [sflag:$0xC], $0x6400, $0x38;
	[tilespmem:$0x19400] =	vst v63  }
0xc9: {  	s20 =	simm.s32 $0x300;
	s18 =	rddreg [dreg:$0xd]  }
0xca: {  	[tilespmem:s20], [sflag:$0x4] =	stream.strided.gather [hbm4b:s18+s24], $0x100, s25, s24, $0x38;
	[tilespmem:$0x19400] =	vst v63  }
0xcb: {  	_ =	swait.ge [sflag:s6], $0x100  }
0xcc: {  	[sflag:s6] =	ssyncset.done $0x0  }
0xcd: {  	[sflag:s6] =	ssyncadd.s32 $0xFFFFFF00  }
0xce: {  	_ =	swait.ge [sflag:s16], $0x6400  }
0xcf: {  	[sflag:s16] =	ssyncset.done $0x0  }
0xd0: {  	[sflag:s16] =	ssyncadd.s32 $0xFFFF9C00  }
0xd1: {  	[tilespmem:s11], [sflag:$0x7] =	stream.indirect.gather [hbm4b:s4+s31], $0x80, s1, s31, $0xb8;
	[tilespmem:$0x19400] =	vst v63  }
0xd2: {  	_ =	swait.ge [sflag:s8], $0x6400  }
0xd3: {  	[sflag:s8] =	ssyncset.done $0x0  }
0xd4: {  	s21 =	rddreg [dreg:$0xe];
	[sflag:s8] =	ssyncadd.s32 $0xFFFF9C00  }
0xd5: {  	[hbm4b:s21+s2] =	stream.linear.scatter [tilespmem:s25], [sflag:$0x9], $0x6400, $0x38;
	[tilespmem:$0x19400] =	vst v63  }
0xd6: {  	_ =	swait.ge [sflag:s10], $0x100  }
0xd7: {  	[sflag:s10] =	ssyncset.done $0x0  }
0xd8: {  	[sflag:s10] =	ssyncadd.s32 $0xFFFFFF00  }
0xd9: {  	_ =	swait.ge [sflag:s17], $0x6400  }
0xda: {  	[sflag:s17] =	ssyncset.done $0x0  }
0xdb: {  	[sflag:s17] =	ssyncadd.s32 $0xFFFF9C00  }
0xdc: {  	[tilespmem:s19], [sflag:$0x8] =	stream.indirect.gather [hbm4b:s4+s31], $0x80, s20, s31, $0xb8;
	[tilespmem:$0x19400] =	vst v63  }
0xdd: {  	_ =	swait.ge [sflag:s12], $0x6400  }
0xde: {  	[sflag:s12] =	ssyncset.done $0x0  }
0xdf: {  	s22 =	rddreg [dreg:$0xf];
	[sflag:s12] =	ssyncadd.s32 $0xFFFF9C00  }
0xe0: {  	[hbm4b:s22+s2] =	stream.linear.scatter [tilespmem:s7], [sflag:$0xA], $0x6400, $0x38;
	[tilespmem:$0x19400] =	vst v63  }
0xe1: {  	_ =	swait.ge [sflag:s9], $0x6400  }
0xe2: {  	[sflag:s9] =	ssyncset.done $0x0  }
0xe3: {  	s23 =	rddreg [dreg:$0x10];
	[sflag:s9] =	ssyncadd.s32 $0xFFFF9C00  }
0xe4: {  	[hbm4b:s23+s2] =	stream.linear.scatter [tilespmem:s11], [sflag:$0xB], $0x6400, $0x38;
	[tilespmem:$0x19400] =	vst v63  }
0xe5: {  	_ =	swait.ge [sflag:s15], $0x6400  }
0xe6: {  	[sflag:s15] =	ssyncset.done $0x0  }
0xe7: {  	s26 =	rddreg [dreg:$0x11];
	[sflag:s15] =	ssyncadd.s32 $0xFFFF9C00  }
0xe8: {  	[hbm4b:s26+s2] =	stream.linear.scatter [tilespmem:s19], [sflag:$0xC], $0x6400, $0x38;
	[tilespmem:$0x19400] =	vst v63  }
0xe9: {  	_ =	swait.ge [sflag:s13], $0x6400  }
0xea: {  	[sflag:s13] =	ssyncset.done $0x0  }
0xeb: {  	[sflag:s13] =	ssyncadd.s32 $0xFFFF9C00  }
0xec: {  	_ =	swait.ge [sflag:s14], $0x6400  }
0xed: {  	[sflag:s14] =	ssyncset.done $0x0  }
0xee: {  	[sflag:s14] =	ssyncadd.s32 $0xFFFF9C00  }
0xef: {  	_ =	swait.ge [sflag:s16], $0x6400  }
0xf0: {  	[sflag:s16] =	ssyncset.done $0x0  }
0xf1: {  	[sflag:s16] =	ssyncadd.s32 $0xFFFF9C00  }
0xf2: {  	_ =	swait.ge [sflag:s17], $0x6400  }
0xf3: {  	s28 =	rddreg [dreg:$0x15]  }
0xf4: {  	s29 =	rddreg [dreg:$0x12];
	s1 =	sadd.s32 $0x1, s28  }
0xf5: {  	p0 =	sne.s32 s1, s29  }
.Ltmp1:
0xf6: {  	_ = 	snop;
	(pc) =	sbr.rel @p0 .LBB2_1-.Ltmp1, $3  }
0xf7: {  	_ =	sdelay $0x1  }
0xf8: {  	[sflag:s17] =	ssyncset.done $0x0  }
0xf9: {  	[sflag:s17] =	ssyncadd.s32 $0xFFFF9C00  }
0xfa: {  	_ =	sfence.sel $0x180000  }
0xfb: {  	[bflag:$0x0] =	sbarrier.arrive $0xFFFF  }
0xfc: {  	_ =	strace $0x90000047  }
0xfd: {  	s0 =	stileid.u32;
	[bflag:$0x2] =	sbarrier.arrive $0xFFFF  }
0xfe: {  	p0 =	sne.s32 s0, $0x0;
	s0 =	rddreg [dreg:$0x1]  }
0xff: {  	s0 =	sadd.s32 @!p0 $0x100000, s0  }
0x100: {  	[sflag:s0] =	ssyncadd.tile.s32 @!p0 $0x1;
	_ =	shalt  }
.Lfunc_end2:
_tile_overlayer_lowered:
.L_overlay_start_2:
0x101: {  	(tag) =	ssettag $0x2  }
0x102: {  	s0 =	rddreg [dreg:$0x0];
	s2 =	stileid.u32  }
0x103: {  	s1 =	rddreg [dreg:$0x1];
	p0 =	sne.s32 s2, $0x0  }
0x104: {  	s3 =	rddreg [dreg:$0x2];
	[bflag:$0x3] =	sbarrier.arrive $0xFFFF;
	s2 =	simm.s32 @!p0 $0x1C0D  }
0x105: {  	[timem:s3], [sflag:s2] =	dma.local @!p0 [hbm:s0], s1  }
0x106: {  	s0 =	simm.s32 @!p0 $0xD  }
0x107: {  	_ =	swait.ge @!p0 [sflag:s0], s1  }
0x108: {  	s1 =	ssub.s32 @!p0 $0x0, s1;
	[sflag:s0] =	ssyncset.done @!p0 $0x0  }
0x109: {  	[sflag:s0] =	ssyncadd.s32 @!p0 s1  }
0x10a: {  	[bflag:$0x3] =	sbarrier.arrive $0xFFFF  }
0x10b: {  	_ =	shalt  }

// kernel: sparse-core-data-format-call.cloned.1.call-start
scs
called_computation_lowered:
.L_overlay_start_0:
0x0: {  	s2 =	sld [smem:$0x3FD9]  }
0x1: {  	s3 =	sld [smem:$0x3FFE];
	_ =	sdelay $0x1  }
0x2: {  	s1 =	srdreg.scid  }
0x3: {  	s0 =	sand.u32 $0x1, s1  }
0x4: {  	s18 =	sshll.u32 s0, $0xA;
	s2 =	sadd.s32 s3, s2  }
0x5: {  	s2 =	sadd.s32 s2, s18  }
0x6: {  	[smem:$0x3FC6] =	sst s2  }
0x7: {  	_ = 	snop  }
0x8: {  	s2 =	sld [smem:$0x3FD0];
	(tm) =	ssettm $0x1  }
0x9: {  	s19 =	sld [smem:$0x3FFB];
	_ =	sdelay $0x3  }
0xa: {  	_ =	strace s19  }
0xb: {  	s3 =	sld [smem:$0x3FFC];
	_ =	sdelay $0x3  }
0xc: {  	_ =	strace s3  }
0xd: {  	s3 =	sld [smem:$0x3FFD];
	_ =	sdelay $0x3  }
0xe: {  	_ =	strace s3  }
0xf: {  	_ =	strace $0x8FFFFFFF  }
0x10: {  	s20 =	sld [smem:$0x3FDB];
	_ =	sdelay $0x1  }
0x11: {  	s4 =	simm.s32 $_scs_section_size  }
0x12: {  	s5 =	simm.s32 $_size__tile_overlayer_lowered;
	s6 =	simm.s32 $_tile_overlayer_lowered  }
0x13: {  	s23 =	simm.s32 $0x1BFF;
	s22 =	sshll.u32 s6, $0x1;
	s3 =	sadd.s32 s4, s20  }
0x14: {  	s7 =	simm.s32 $0x0;
	s21 =	sshll.u32 s5, $0x1;
	s5 =	sadd.s32 s22, s3  }
0x15: {  	[timem:s7], [sflag:s23] =	dma.local [hbm:s5], s21  }
0x16: {  	_ =	swait.ge [sflag:s23], s21  }
0x17: {  	s4 =	ssub.s32 $0x0, s21;
	[sflag:s23] =	ssyncset.done $0x0  }
0x18: {  	[sflag:s23] =	ssyncadd.s32 s4;
	_ =	sdelay $0x1  }
0x19: {  	s24 =	simm.s32 $0x1B8B  }
0x1a: {  	_ =	swait.ge [sflag:s24], $0x1  }
0x1b: {  	[sflag:s24] =	ssyncset.done $0x0  }
0x1c: {  	s26 =	simm.s32 $0x1B8E;
	s25 =	sld [smem:$0x3FFE];
	[sflag:s24] =	ssyncadd.s32 $0xFFFFFFFF  }
0x1d: {  	s27 =	simm.s32 $execute0_lowered;
	[smem:$0x3FD2] =	sst s26  }
0x1e: {  	s5 =	sshll.u32 s27, $0x1;
	_ =	strace $0x80000049;
	[dreg:$0x1] =	wrdreg $0xFFFFFFFF  }
0x1f: {  	s28 =	simm.s32 $_size_execute0_lowered;
	s3 =	sadd.s32 s3, s5;
	[dreg:$0x0] =	wrdreg $0x0  }
0x20: {  	s5 =	sshll.u32 s28, $0x1;
	[dreg:$0x2] =	wrdreg s3  }
0x21: {  	[dreg:$0x3] =	wrdreg s5  }
0x22: {  	[dreg:$0x4] =	wrdreg $0xC0  }
0x23: {  	_ =	task [dreg:s7], $0x5FFFF  }
0x24: {  	[dreg:$0x1] =	wrdreg $0xFFFFFFFF  }
0x25: {  	[dreg:$0x0] =	wrdreg $0x60  }
0x26: {  	[dreg:$0x2] =	wrdreg s25  }
0x27: {  	[dreg:$0x3] =	wrdreg s2  }
0x28: {  	[dreg:$0x4] =	wrdreg $0x9  }
0x29: {  	_ =	task.clear_ibuf [dreg:s7], $0x5FFFF;
	_ =	strace $0x90000049  }
0x2a: {  	s29 =	simm.s32 $0x9;
	_ =	strace $0x8000004B  }
0x2b: {  	_ =	swait.ge [sflag:s29], $0x1  }
0x2c: {  	[sflag:s29] =	ssyncadd.s32 $0xFFFFFFFF  }
0x2d: {  	_ =	strace $0x9000004B  }
0x2e: {  	_ =	sfence  }
0x2f: {  	s30 =	sld [smem:$0x0];
	_ =	sdelay $0x2  }
0x30: {  	s31 =	sshll.u32 s1, $0xD;
	s1 =	sshrl.u32 s1, $0x2  }
0x31: {  	s3 =	sand.u32 $0x4000, s31;
	s1 =	sadd.s32 s1, s30  }
0x32: {  	s0 =	sor.u32 s3, s0;
	s1 =	sshll.u32 s1, $0x11  }
0x33: {  	s0 =	sor.u32 s1, s0  }
0x34: {  	s0 =	sadd.s32 $0x8F2B, s0  }
0x35: {  	[sflag:s0] =	ssyncadd.remote.s32 $0x1  }
0x36: {  	_ =	sfence.sel $0xFFFF  }
0x37: {  	[dreg:$0x0] =	wrdreg $0xFFFFFFFF;
	(pc) =	sbr.abs _section_cstart, $3  }
0x38: {  	[dreg:$0x1] =	wrdreg $0xFFFFFFFF  }
0x39: {  	_ =	task.clear_ibuf [dreg:s7], $0x2FFFF;
	_ =	strace $0x9FFFFFFF  }
0x3a: {  	(tm) =	ssettm $0x7FFFFFFF  }
0x3b: {  	_ =	shalt  }
tec
execute0_lowered:
.L_overlay_start_1:
0x0: {  	(tag) =	ssettag $0x1  }
0x1: {  	s0 =	srdreg.scid  }
0x2: {  	s1 =	sshll.u32 s0, $0x4  }
0x3: {  	s0 =	stileid.u32;
	s1 =	sand.u32 $0x10, s1  }
0x4: {  	s1 =	sor.u32 s0, s1  }
0x5: {  	s6 =	rddreg [dreg:$0x0];
	s4 =	simm.s32 $0x1;
	s2 =	sshll.u32 s1, $0x7  }
0x6: {  	s7 =	simm.s32 $0x2;
	s12 =	simm.s32 $0x0;
	s1 =	ssub.s32 $0x4000, s2  }
0x7: {  	s8 =	simm.s32 $0x20000;
	s13 =	simm.s32 $0x0;
	s3 =	sand.u32 $0xF80, s1  }
0x8: {  	s9 =	simm.s32 $0x0;
	s5 =	sshrl.u32 s1, $0xC;
	p0 =	sne.s32 s3, $0x0  }
.Ltmp0:
0x9: {  	s1 =	rddreg [dreg:$0x2];
	s4 =	simm.s32 @!p0 $0x0;
	(pc) =	sbr.rel .LBB1_1-.Ltmp0, $4  }
0xa: {  	s11 =	simm.s32 $0x0;
	s3 =	rddreg [dreg:$0x1];
	s5 =	sadd.s32 s4, s5  }
0xb: {  	_ =	strace $0x8000004A;
	s4 =	simm.s32 $0x1;
	s5 =	smul.u32 $0xC8, s5  }
0xc: {  	s6 =	sadd.s32 $0xFC2C00, s6;
	s10 =	smov.u32 s2;
	[sflag:s4] =	ssyncpa.u1 $0x0  }
0xd: {  	p0 =	por $0x0, $0x0;
	[sflag:s7] =	ssyncpa.u1 $0x0;
	s7 =	sor.u32 $0x1, s5  }
.LBB1_4:
0xe: {  	s16 =	sshll.u32 s13, $0x3;
	s17 =	sand.u32 $0x78, s13  }
0xf: {  	s30 =	sand.u32 $0x1F800, s13;
	s12 =	sshll.u32 s12, $0x11;
	s16 =	sand.u32 $0x3C00, s16  }
0x10: {  	[tilespmem:s15+$0x810 ss:$0x81] =	vst.msk $0xffff, v2;
	s31 =	sand.u32 $0x7, s13;
	s16 =	sor.u32 s17, s16;
	s17 =	sadd.s32 s3, s30  }
0x11: {  	[tilespmem:s15+$0x1020 ss:$0x81] =	vst.msk $0xffff, v0;
	s13 =	sshll.u32 s31, $0x12;
	s12 =	sadd.s32 s12, s17;
	s16 =	sshrl.u32 s16, $0x3  }
0x12: {  	[tilespmem:s15+$0x0 ss:$0x81] =	vst.msk $0xffff, v1;
	s13 =	sor.u32 $0x400, s13;
	s12 =	sadd.s32 s16, s12  }
0x13: {  	[hbm4b:s12+s13] =	stream.strided.scatter [tilespmem:s14], [sflag:$0x2], $0x2000, s8, s13, $0x20;
	[tilespmem:$0x8080] =	vst v63  }
.LBB1_5:
0x14: {  	s14 =	sadd.s32 $0x1, s9  }
0x15: {  	s12 =	sadd.s32 $0x1000, s10;
	s16 =	smov.u32 s10;
	p2 =	sgt.s32 s14, $0xC7  }
0x16: {  	s16 =	smov.u32 @p2 s12  }
0x17: {  	s14 =	simm.s32 @p2 $0x0;
	p2 =	sgt.s32 s16, $0x3FFF  }
0x18: {  	s16 =	smov.u32 @p2 s2;
	p2 =	sne.s32 s11, s7  }
.Ltmp1:
0x19: {  	p1 =	slt.u32 s11, $0x2;
	(pc) =	sbr.rel @!p2 .LBB1_6-.Ltmp1, $4  }
0x1a: {  	s15 =	simm.s32 @!p1 $0x2  }
0x1b: {  	s13 =	smov.u32 s10;
	p0 =	por !p0, !p0;
	_ =	swait.ge @!p1 [sflag:s15], $0x2000  }
0x1c: {  	s12 =	smov.u32 s9;
	[sflag:s15] =	ssyncset.done @!p1 $0x0;
	s9 =	smov.u32 s14  }
0x1d: {  	s11 =	sadd.s32 $0x1, s11;
	[sflag:s15] =	ssyncadd.s32 @!p1 $0xFFFFE000;
	s10 =	smov.u32 s16  }
.LBB1_1:
0x1e: {  	p1 =	sge.u32 s11, s5  }
0x1f: {  	s14 =	sand.u32 @!p1 $0x1FFFFFF, s9  }
0x20: {  	s15 =	smulhi.u32 @!p1 $0x147AE15, s14;
	_ =	sdelay $0x1  }
0x21: {  	s15 =	smul.u32 @!p1 $0xC8, s15  }
0x22: {  	s16 =	sxor.u32 @!p1 $0xFFFFFFFF, s11;
	s17 =	smul.u32 @!p1 $0xC80, s10  }
0x23: {  	s31 =	sadd.s32 $0xFFFFFFFF, s11;
	s16 =	sshll.u32 @!p1 s16, $0xD;
	s14 =	ssub.s32 @!p1 s14, s15  }
0x24: {  	s15 =	sand.u32 @!p1 $0x2000, s16;
	s16 =	sadd.s32 @!p1 s6, s17;
	s14 =	sshll.u32 @!p1 s14, $0x4  }
0x25: {  	s17 =	simm.s32 @!p1 $0x6400;
	s14 =	sadd.s32 @!p1 s14, s16;
	s16 =	simm.s32 @!p1 $0x40  }
0x26: {  	[tilespmem:s15], [sflag:$0x1] =	stream.strided.gather @!p1 [hbm4b:s14+s16], $0x2000, s17, s16, $0x38;
	[tilespmem:$0x8080] =	vst v63  }
0x27: {  	p1 =	sge.u32 s31, s5  }
.Ltmp2:
0x28: {  	_ = 	snop;
	(pc) =	sbr.rel @p1 .LBB1_5-.Ltmp2, $1  }
0x29: {  	_ =	sdelay $0x3  }
0x2a: {  	s14 =	simm.s32 $0x1  }
0x2b: {  	_ =	swait.ge [sflag:s4], $0x2000;
	s14 =	simm.s32 @!p0 $0x0  }
0x2c: {  	[sflag:s4] =	ssyncset.done $0x0;
	s15 =	sshll.u32 s14, $0xD  }
0x2d: {  	[sflag:s4] =	ssyncadd.s32 $0xFFFFE000;
	s18 =	sor.u32 $0x20, s15  }
0x2e: {  	s14 =	smul.u32 $0x8100, s14;
	v3 =	vld [tilespmem:s18+$0x10]  }
0x2f: {  	s30 =	sand.u32 $0x1, s11;
	v2 =	vld [tilespmem:s18+$0xFFFFFFF0]  }
0x30: {  	s15 =	smul.u32 $0x8100, s30;
	s14 =	sshrl.u32 s14, $0x2;
	v0 =	vld [tilespmem:s18+$0x0]  }
0x31: {  	v1 =	vld [tilespmem:s18+$0xFFFFFFE0];
	s16 =	sor.u32 $0x4000, s14  }
0x32: {  	s31 =	sshrl.u32 s15, $0x2;
	s15 =	sadd.s32 $0x0, s16  }
0x33: {  	s17 =	simm.s32 $0x4;
	s18 =	sadd.s32 $0x40, s18;
	s14 =	sor.u32 $0x4000, s31;
	[tilespmem:s15+$0x1830 ss:$0x81] =	vst.msk $0xffff, v3  }
.LBB1_3:
0x34: {  	v3 =	vld [tilespmem:s18+$0x10];
	p1 =	sne.s32 s17, $0x1FC;
	[tilespmem:s15+$0x810 ss:$0x81] =	vst.msk $0xffff, v2;
	s19 =	smov.u32 s17;
	s17 =	sadd.s32 $0x4, s17  }
.Ltmp3:
0x35: {  	v2 =	vld [tilespmem:s18+$0xFFFFFFF0];
	[tilespmem:s15+$0x1020 ss:$0x81] =	vst.msk $0xffff, v0;
	(pc) =	sbr.rel @p1 .LBB1_3-.Ltmp3, $4  }
0x36: {  	v0 =	vld [tilespmem:s18+$0x0];
	[tilespmem:s15+$0x0 ss:$0x81] =	vst.msk $0xffff, v1  }
0x37: {  	s15 =	sshra.s32 s19, $0x2;
	v1 =	vld [tilespmem:s18+$0xFFFFFFE0]  }
0x38: {  	s15 =	sadd.s32 s15, s16  }
0x39: {  	s18 =	sadd.s32 $0x40, s18;
	[tilespmem:s15+$0x1830 ss:$0x81] =	vst.msk $0xffff, v3  }
.Ltmp4:
0x3a: {  	_ = 	snop;
	(pc) =	sbr.rel .LBB1_4-.Ltmp4, $1  }
0x3b: {  	_ =	sdelay $0x3  }
.LBB1_6:
0x3c: {  	_ =	sfence.sel $0x180000  }
0x3d: {  	s2 =	simm.s32 $0x1;
	[bflag:$0x0] =	sbarrier.arrive $0xFFFF  }
0x3e: {  	s31 =	simm.s32 $0x2;
	[sflag:s2] =	ssyncpa.u1 $0x1  }
0x3f: {  	[sflag:s31] =	ssyncpa.u1 $0x1  }
0x40: {  	p0 =	sne.s32 s0, $0x0;
	_ =	strace $0x9000004A  }
0x41: {  	s0 =	sadd.s32 @!p0 $0x100000, s1;
	[bflag:$0x2] =	sbarrier.arrive $0xFFFF  }
0x42: {  	[sflag:s0] =	ssyncadd.tile.s32 @!p0 $0x1;
	_ =	shalt  }
.Lfunc_end1:
_tile_overlayer_lowered:
.L_overlay_start_2:
0x43: {  	(tag) =	ssettag $0x2  }
0x44: {  	s0 =	rddreg [dreg:$0x0];
	s2 =	stileid.u32  }
0x45: {  	s1 =	rddreg [dreg:$0x1];
	p0 =	sne.s32 s2, $0x0  }
0x46: {  	s3 =	rddreg [dreg:$0x2];
	[bflag:$0x3] =	sbarrier.arrive $0xFFFF;
	s2 =	simm.s32 @!p0 $0x1C01  }
0x47: {  	[timem:s3], [sflag:s2] =	dma.local @!p0 [hbm:s0], s1  }
0x48: {  	s0 =	simm.s32 @!p0 $0x1  }
0x49: {  	_ =	swait.ge @!p0 [sflag:s0], s1  }
0x4a: {  	s1 =	ssub.s32 @!p0 $0x0, s1;
	[sflag:s0] =	ssyncset.done @!p0 $0x0  }
0x4b: {  	[sflag:s0] =	ssyncadd.s32 @!p0 s1  }
0x4c: {  	[bflag:$0x3] =	sbarrier.arrive $0xFFFF  }
0x4d: {  	_ =	shalt  }

</sc_bundles>
